<compile_context>
chip_gen: v7x
topology: tpu7x:2x2x1
jax: 0.10.2.dev20260603
libtpu: 0.0.44.dev20260713+nightly
codegen_flags: <defaults>
</compile_context>

<pallas_src>
import numpy as np

import jax
import jax.numpy as jnp
from jax import lax
from jax.experimental import pallas as pl
from jax.experimental.pallas import tpu as pltpu
from jax.experimental.pallas import tpu_sc as plsc

DIM = 64
BATCH = 4096
N_USERS = 1872
RATERS = 32
NUM_CORES = 2
NUM_SUBCORES = 16
NUM_WORKERS = NUM_CORES * NUM_SUBCORES
BPW = BATCH // NUM_WORKERS
LANES = 16
NBUF = 6

_CP = np.zeros(DIM, np.int32)
for _k in range(LANES):
    _CP[2 * _k] = _k
    _CP[2 * _k + 1] = LANES + _k
    _CP[2 * LANES + 2 * _k] = 2 * LANES + _k
    _CP[2 * LANES + 2 * _k + 1] = 3 * LANES + _k
_COLPERM = tuple(int(x) for x in _CP)


def _body(v_hbm, iu_hbm, tabw_hbm, out_hbm, v_v, raters_v, buf, out_st,
          tab_sh, sem_in, sem_g):
    sid = lax.axis_index("s")
    wid = sid * NUM_CORES + lax.axis_index("c")
    base = wid * BPW

    pltpu.sync_copy(v_hbm.at[pl.ds(base, BPW)], v_v)
    iu_copy = pltpu.async_copy(iu_hbm.at[v_v], raters_v, sem_in)

    @pl.when(sid == 0)
    def _():
        pltpu.sync_copy(tabw_hbm, tab_sh)

    plsc.subcore_barrier()
    iu_copy.wait()

    def fire(c):
        par = lax.rem(c, NBUF)
        pltpu.async_copy(
            tab_sh.at[raters_v.at[c]],
            buf.at[pl.ds(par * RATERS, RATERS)],
            sem_g)

    for p in range(NBUF):
        fire(jnp.int32(p))

    himask = jnp.full((LANES,), -65536, dtype=jnp.int32)

    def chunk_body(c, carry):
        par = lax.rem(c, NBUF)
        rbase = par * RATERS
        pltpu.make_async_copy(
            tabw_hbm.at[pl.ds(0, RATERS)],
            buf.at[pl.ds(rbase, RATERS)],
            sem_g).wait()
        acc = [jnp.zeros((LANES,), jnp.float32) for _ in range(4)]
        for r in range(RATERS):
            row = rbase + r
            w0 = buf[row, pl.ds(0, LANES)]
            w1 = buf[row, pl.ds(LANES, LANES)]
            acc[0] = acc[0] + plsc.bitcast(w0 << 16, jnp.float32)
            acc[1] = acc[1] + plsc.bitcast(w0 & himask, jnp.float32)
            acc[2] = acc[2] + plsc.bitcast(w1 << 16, jnp.float32)
            acc[3] = acc[3] + plsc.bitcast(w1 & himask, jnp.float32)
        for k in range(4):
            out_st[c, pl.ds(k * LANES, LANES)] = acc[k]

        @pl.when(c + NBUF < BPW)
        def _():
            fire(c + NBUF)

        return carry

    lax.fori_loop(0, BPW, chunk_body, 0, unroll=2)

    pltpu.sync_copy(out_st, out_hbm.at[pl.ds(base, BPW)])


@jax.jit
def _ucn_sc(v, item_users, tab_w):
    mesh = plsc.VectorSubcoreMesh(core_axis_name="c", subcore_axis_name="s")
    return pl.kernel(
        _body,
        out_type=jax.ShapeDtypeStruct((BATCH, DIM), jnp.float32),
        mesh=mesh,
        compiler_params=pltpu.CompilerParams(
            needs_layout_passes=False, use_tc_tiling_on_sc=False),
        scratch_types=[
            pltpu.VMEM((BPW,), jnp.int32),
            pltpu.VMEM((BPW, RATERS), jnp.int32),
            pltpu.VMEM((NBUF * RATERS, DIM // 2), jnp.int32),
            pltpu.VMEM((BPW, DIM), jnp.float32),
            pltpu.VMEM_SHARED((N_USERS, DIM // 2), jnp.int32),
            pltpu.SemaphoreType.DMA,
            pltpu.SemaphoreType.DMA,
        ],
    )(v, item_users, tab_w)


def kernel(u, v, item_users, U_table):
    del u
    u_bf = U_table[:, _COLPERM].astype(jnp.bfloat16)
    tab_w = jax.lax.bitcast_convert_type(
        u_bf.reshape(N_USERS, DIM // 2, 2), jnp.int32)
    return _ucn_sc(v, item_users, tab_w)

# --- scband reference (transcript-rebuilt; emitter-appended) ---
"""Pipeline reference for scband-ucn-58085137711656 (READ-ONLY COPY).

The authoritative reference and input builder live on the scoring server;
editing this copy changes nothing except your own understanding.
"""

import jax, jax.numpy as jnp
import numpy as np

DIM = 64
BATCH = 4096
N_USERS = 1872
N_ITEMS = 3846
RATERS_PER_ITEM = 32


def setup_inputs(seed: int = 0) -> dict:
    key = jax.random.key(seed)
    k_u, k_v, k_tab, k_emb = jax.random.split(key, 4)
    u = jax.random.randint(k_u, (BATCH,), 0, N_USERS, dtype=jnp.int64 if jax.config.jax_enable_x64 else jnp.int32).astype(jnp.int32)
    v = jax.random.randint(k_v, (BATCH,), 0, N_ITEMS).astype(jnp.int32)
    # Stand-in for the pandas ratings table: for each item, the list of user ids who rated it.
    item_users = jax.random.randint(k_tab, (N_ITEMS, RATERS_PER_ITEM), 0, N_USERS).astype(jnp.int32)
    # Learned parameter: U_Embedding weight, nn.Embedding default init ~ N(0, 1).
    U_table = jax.random.normal(k_emb, (N_USERS, DIM), dtype=jnp.float32)
    return {"u": u, "v": v, "item_users": item_users, "U_table": U_table}


def reference(u, v, item_users, U_table):
    # For each item v_j in the batch: look up the users who rated v_j,
    # gather their embeddings from U_Embedding, and sum -> u_c[j].
    raters = jnp.take(item_users, v, axis=0)          # [B, R] user ids per batch item
    emb = jnp.take(U_table, raters, axis=0)            # [B, R, dim] embedding gather
    u_c = jnp.sum(emb, axis=1)                         # [B, dim] sum over raters
    return u_c

if __name__ == "__main__":
    import jax
    _d = setup_inputs()
    print(jax.jit(kernel)(*tuple(_d.values())))

</pallas_src>

<mosaic_0001>
#map = affine_map<(d0, d1) -> (0)>
#map1 = affine_map<(d0, d1) -> (0, 0)>
module attributes {stable_mosaic.version = 14 : i64} {
  func.func @_body(%arg0: i32, %arg1: i32, %arg2: memref<4096xi32, #tpu.memory_space<hbm>>, %arg3: memref<3846x32xi32, #tpu.memory_space<hbm>>, %arg4: memref<1872x32xi32, #tpu.memory_space<hbm>>, %arg5: memref<4096x64xf32, #tpu.memory_space<hbm>>, %arg6: memref<128xi32, #tpu.memory_space<vmem>>, %arg7: memref<128x32xi32, #tpu.memory_space<vmem>>, %arg8: memref<192x32xi32, #tpu.memory_space<vmem>>, %arg9: memref<128x64xf32, #tpu.memory_space<vmem>>, %arg10: memref<1872x32xi32, #tpu.memory_space<vmem_shared>>, %arg11: memref<!tpu.dma_semaphore, #tpu.memory_space<semaphore_mem>>, %arg12: memref<!tpu.dma_semaphore, #tpu.memory_space<semaphore_mem>>) attributes {dimension_semantics = [#tpu.dimension_semantics<core_parallel>, #tpu.dimension_semantics<subcore_parallel>], iteration_bounds = array<i64: 2, 16>, scalar_prefetch = 0 : i64, scratch_operands = 7 : i64, tpu.core_type = #tpu.core_type<sc_vector_subcore>, window_params = [{transform_indices = #map}, {transform_indices = #map1}, {transform_indices = #map1}, {transform_indices = #map1}]} {
    %mul3A = arith.constant 2 : i32
    %mul3A_0 = arith.muli %arg1, %mul3A : i32
    %add3A = arith.addi %mul3A_0, %arg0 : i32
    %mul3A_1 = arith.constant 128 : i32
    %mul3A_2 = arith.muli %add3A, %mul3A_1 : i32
    "tpu.region"() ({
      %run_scoped3A = tpu.sem_alloc : memref<!tpu.dma_semaphore, #tpu.memory_space<semaphore_mem>>
      %dma_start3A_98 = tpu.memref_slice %arg2[%mul3A_2] : memref<4096xi32, #tpu.memory_space<hbm>> -> memref<128xi32, #tpu.memory_space<hbm>>
      %dma_start3A_99 = tpu.memref_slice %arg2[%mul3A_2] : memref<4096xi32, #tpu.memory_space<hbm>> -> memref<128xi32, #tpu.memory_space<hbm>>
      tpu.enqueue_dma source(%dma_start3A_99 : memref<128xi32, #tpu.memory_space<hbm>>) target(%arg6 : memref<128xi32, #tpu.memory_space<vmem>>) target_semaphore(%run_scoped3A : memref<!tpu.dma_semaphore, #tpu.memory_space<semaphore_mem>>)
      %dma_wait3A_100 = tpu.memref_slice %arg2[%mul3A_2] : memref<4096xi32, #tpu.memory_space<hbm>> -> memref<128xi32, #tpu.memory_space<hbm>>
      %dma_wait3A_101 = tpu.memref_slice %arg2[%mul3A_2] : memref<4096xi32, #tpu.memory_space<hbm>> -> memref<128xi32, #tpu.memory_space<hbm>>
      tpu.wait_dma2 semaphore(%run_scoped3A : memref<!tpu.dma_semaphore, #tpu.memory_space<semaphore_mem>>) src(%dma_wait3A_101 : memref<128xi32, #tpu.memory_space<hbm>>) dst(%arg6 : memref<128xi32, #tpu.memory_space<vmem>>)
      tpu.yield
    }) : () -> ()
    %dma_start3A = arith.constant 0 : i32
    %dma_start3A_3 = arith.constant 0 : i32
    %dma_start3A_4 = tpu.memref_slice %arg3[%dma_start3A, %dma_start3A_3] : memref<3846x32xi32, #tpu.memory_space<hbm>> -> memref<3846x32xi32, #tpu.memory_space<hbm>>
    tpu.enqueue_indirect_dma source(%dma_start3A_4 : memref<3846x32xi32, #tpu.memory_space<hbm>>) target(%arg7 : memref<128x32xi32, #tpu.memory_space<vmem>>) offsets(%arg6 : memref<128xi32, #tpu.memory_space<vmem>>) semaphore(%arg11 : memref<!tpu.dma_semaphore, #tpu.memory_space<semaphore_mem>>)
    %eq3A = arith.constant 0 : i32
    %eq3A_5 = arith.cmpi eq, %arg1, %eq3A : i32
    %convert_element_type3A = arith.extui %eq3A_5 : i1 to i32
    %cond3A = arith.constant 0 : i32
    %cond3A_6 = arith.cmpi ne, %convert_element_type3A, %cond3A : i32
    scf.if %cond3A_6 {
      "tpu.region"() ({
        %run_scoped3A = tpu.sem_alloc : memref<!tpu.dma_semaphore, #tpu.memory_space<semaphore_mem>>
        tpu.enqueue_dma source(%arg4 : memref<1872x32xi32, #tpu.memory_space<hbm>>) target(%arg10 : memref<1872x32xi32, #tpu.memory_space<vmem_shared>>) target_semaphore(%run_scoped3A : memref<!tpu.dma_semaphore, #tpu.memory_space<semaphore_mem>>)
        tpu.wait_dma2 semaphore(%run_scoped3A : memref<!tpu.dma_semaphore, #tpu.memory_space<semaphore_mem>>) src(%arg4 : memref<1872x32xi32, #tpu.memory_space<hbm>>) dst(%arg10 : memref<1872x32xi32, #tpu.memory_space<vmem_shared>>)
        tpu.yield
      }) : () -> ()
    } else {
    }
    %barrier3A = arith.constant 0 : index
    tpu.barrier barrier_id(%barrier3A)
    %dma_wait3A = arith.constant 0 : i32
    %dma_wait3A_7 = arith.constant 0 : i32
    %dma_wait3A_8 = tpu.memref_slice %arg3[%dma_wait3A, %dma_wait3A_7] : memref<3846x32xi32, #tpu.memory_space<hbm>> -> memref<3846x32xi32, #tpu.memory_space<hbm>>
    tpu.wait_indirect_dma semaphore(%arg11 : memref<!tpu.dma_semaphore, #tpu.memory_space<semaphore_mem>>) src(%dma_wait3A_8 : memref<3846x32xi32, #tpu.memory_space<hbm>>) dst(%arg7 : memref<128x32xi32, #tpu.memory_space<vmem>>)
    %rem3A = arith.constant 0 : i32
    %rem3A_9 = arith.constant 6 : i32
    %rem3A_10 = arith.remsi %rem3A, %rem3A_9 : i32
    %mul3A_11 = arith.constant 32 : i32
    %mul3A_12 = arith.muli %rem3A_10, %mul3A_11 : i32
    %dma_start3A_13 = arith.constant 0 : i32
    %dma_start3A_14 = arith.constant 0 : i32
    %dma_start3A_15 = tpu.memref_slice %arg8[%mul3A_12, %dma_start3A_14] : memref<192x32xi32, #tpu.memory_space<vmem>> -> memref<32x32xi32, #tpu.memory_space<vmem>>
    %dma_start3A_16 = arith.constant 0 : i32
    %dma_start3A_17 = tpu.memref_slice %arg7[%dma_start3A_13, %dma_start3A_16] : memref<128x32xi32, #tpu.memory_space<vmem>> -> memref<1x32xi32, #tpu.memory_space<vmem>>
    %dma_start3A_18 = tpu.memref_squeeze %dma_start3A_17 : memref<1x32xi32, #tpu.memory_space<vmem>> -> memref<32xi32, #tpu.memory_space<vmem>>
    %dma_start3A_19 = arith.constant 0 : i32
    %dma_start3A_20 = arith.constant 0 : i32
    %dma_start3A_21 = tpu.memref_slice %arg10[%dma_start3A_19, %dma_start3A_20] : memref<1872x32xi32, #tpu.memory_space<vmem_shared>> -> memref<1872x32xi32, #tpu.memory_space<vmem_shared>>
    tpu.enqueue_indirect_dma source(%dma_start3A_21 : memref<1872x32xi32, #tpu.memory_space<vmem_shared>>) target(%dma_start3A_15 : memref<32x32xi32, #tpu.memory_space<vmem>>) offsets(%dma_start3A_18 : memref<32xi32, #tpu.memory_space<vmem>>) semaphore(%arg12 : memref<!tpu.dma_semaphore, #tpu.memory_space<semaphore_mem>>)
    %rem3A_22 = arith.constant 1 : i32
    %rem3A_23 = arith.constant 6 : i32
    %rem3A_24 = arith.remsi %rem3A_22, %rem3A_23 : i32
    %mul3A_25 = arith.constant 32 : i32
    %mul3A_26 = arith.muli %rem3A_24, %mul3A_25 : i32
    %dma_start3A_27 = arith.constant 1 : i32
    %dma_start3A_28 = arith.constant 0 : i32
    %dma_start3A_29 = tpu.memref_slice %arg8[%mul3A_26, %dma_start3A_28] : memref<192x32xi32, #tpu.memory_space<vmem>> -> memref<32x32xi32, #tpu.memory_space<vmem>>
    %dma_start3A_30 = arith.constant 0 : i32
    %dma_start3A_31 = tpu.memref_slice %arg7[%dma_start3A_27, %dma_start3A_30] : memref<128x32xi32, #tpu.memory_space<vmem>> -> memref<1x32xi32, #tpu.memory_space<vmem>>
    %dma_start3A_32 = tpu.memref_squeeze %dma_start3A_31 : memref<1x32xi32, #tpu.memory_space<vmem>> -> memref<32xi32, #tpu.memory_space<vmem>>
    %dma_start3A_33 = arith.constant 0 : i32
    %dma_start3A_34 = arith.constant 0 : i32
    %dma_start3A_35 = tpu.memref_slice %arg10[%dma_start3A_33, %dma_start3A_34] : memref<1872x32xi32, #tpu.memory_space<vmem_shared>> -> memref<1872x32xi32, #tpu.memory_space<vmem_shared>>
    tpu.enqueue_indirect_dma source(%dma_start3A_35 : memref<1872x32xi32, #tpu.memory_space<vmem_shared>>) target(%dma_start3A_29 : memref<32x32xi32, #tpu.memory_space<vmem>>) offsets(%dma_start3A_32 : memref<32xi32, #tpu.memory_space<vmem>>) semaphore(%arg12 : memref<!tpu.dma_semaphore, #tpu.memory_space<semaphore_mem>>)
    %rem3A_36 = arith.constant 2 : i32
    %rem3A_37 = arith.constant 6 : i32
    %rem3A_38 = arith.remsi %rem3A_36, %rem3A_37 : i32
    %mul3A_39 = arith.constant 32 : i32
    %mul3A_40 = arith.muli %rem3A_38, %mul3A_39 : i32
    %dma_start3A_41 = arith.constant 2 : i32
    %dma_start3A_42 = arith.constant 0 : i32
    %dma_start3A_43 = tpu.memref_slice %arg8[%mul3A_40, %dma_start3A_42] : memref<192x32xi32, #tpu.memory_space<vmem>> -> memref<32x32xi32, #tpu.memory_space<vmem>>
    %dma_start3A_44 = arith.constant 0 : i32
    %dma_start3A_45 = tpu.memref_slice %arg7[%dma_start3A_41, %dma_start3A_44] : memref<128x32xi32, #tpu.memory_space<vmem>> -> memref<1x32xi32, #tpu.memory_space<vmem>>
    %dma_start3A_46 = tpu.memref_squeeze %dma_start3A_45 : memref<1x32xi32, #tpu.memory_space<vmem>> -> memref<32xi32, #tpu.memory_space<vmem>>
    %dma_start3A_47 = arith.constant 0 : i32
    %dma_start3A_48 = arith.constant 0 : i32
    %dma_start3A_49 = tpu.memref_slice %arg10[%dma_start3A_47, %dma_start3A_48] : memref<1872x32xi32, #tpu.memory_space<vmem_shared>> -> memref<1872x32xi32, #tpu.memory_space<vmem_shared>>
    tpu.enqueue_indirect_dma source(%dma_start3A_49 : memref<1872x32xi32, #tpu.memory_space<vmem_shared>>) target(%dma_start3A_43 : memref<32x32xi32, #tpu.memory_space<vmem>>) offsets(%dma_start3A_46 : memref<32xi32, #tpu.memory_space<vmem>>) semaphore(%arg12 : memref<!tpu.dma_semaphore, #tpu.memory_space<semaphore_mem>>)
    %rem3A_50 = arith.constant 3 : i32
    %rem3A_51 = arith.constant 6 : i32
    %rem3A_52 = arith.remsi %rem3A_50, %rem3A_51 : i32
    %mul3A_53 = arith.constant 32 : i32
    %mul3A_54 = arith.muli %rem3A_52, %mul3A_53 : i32
    %dma_start3A_55 = arith.constant 3 : i32
    %dma_start3A_56 = arith.constant 0 : i32
    %dma_start3A_57 = tpu.memref_slice %arg8[%mul3A_54, %dma_start3A_56] : memref<192x32xi32, #tpu.memory_space<vmem>> -> memref<32x32xi32, #tpu.memory_space<vmem>>
    %dma_start3A_58 = arith.constant 0 : i32
    %dma_start3A_59 = tpu.memref_slice %arg7[%dma_start3A_55, %dma_start3A_58] : memref<128x32xi32, #tpu.memory_space<vmem>> -> memref<1x32xi32, #tpu.memory_space<vmem>>
    %dma_start3A_60 = tpu.memref_squeeze %dma_start3A_59 : memref<1x32xi32, #tpu.memory_space<vmem>> -> memref<32xi32, #tpu.memory_space<vmem>>
    %dma_start3A_61 = arith.constant 0 : i32
    %dma_start3A_62 = arith.constant 0 : i32
    %dma_start3A_63 = tpu.memref_slice %arg10[%dma_start3A_61, %dma_start3A_62] : memref<1872x32xi32, #tpu.memory_space<vmem_shared>> -> memref<1872x32xi32, #tpu.memory_space<vmem_shared>>
    tpu.enqueue_indirect_dma source(%dma_start3A_63 : memref<1872x32xi32, #tpu.memory_space<vmem_shared>>) target(%dma_start3A_57 : memref<32x32xi32, #tpu.memory_space<vmem>>) offsets(%dma_start3A_60 : memref<32xi32, #tpu.memory_space<vmem>>) semaphore(%arg12 : memref<!tpu.dma_semaphore, #tpu.memory_space<semaphore_mem>>)
    %rem3A_64 = arith.constant 4 : i32
    %rem3A_65 = arith.constant 6 : i32
    %rem3A_66 = arith.remsi %rem3A_64, %rem3A_65 : i32
    %mul3A_67 = arith.constant 32 : i32
    %mul3A_68 = arith.muli %rem3A_66, %mul3A_67 : i32
    %dma_start3A_69 = arith.constant 4 : i32
    %dma_start3A_70 = arith.constant 0 : i32
    %dma_start3A_71 = tpu.memref_slice %arg8[%mul3A_68, %dma_start3A_70] : memref<192x32xi32, #tpu.memory_space<vmem>> -> memref<32x32xi32, #tpu.memory_space<vmem>>
    %dma_start3A_72 = arith.constant 0 : i32
    %dma_start3A_73 = tpu.memref_slice %arg7[%dma_start3A_69, %dma_start3A_72] : memref<128x32xi32, #tpu.memory_space<vmem>> -> memref<1x32xi32, #tpu.memory_space<vmem>>
    %dma_start3A_74 = tpu.memref_squeeze %dma_start3A_73 : memref<1x32xi32, #tpu.memory_space<vmem>> -> memref<32xi32, #tpu.memory_space<vmem>>
    %dma_start3A_75 = arith.constant 0 : i32
    %dma_start3A_76 = arith.constant 0 : i32
    %dma_start3A_77 = tpu.memref_slice %arg10[%dma_start3A_75, %dma_start3A_76] : memref<1872x32xi32, #tpu.memory_space<vmem_shared>> -> memref<1872x32xi32, #tpu.memory_space<vmem_shared>>
    tpu.enqueue_indirect_dma source(%dma_start3A_77 : memref<1872x32xi32, #tpu.memory_space<vmem_shared>>) target(%dma_start3A_71 : memref<32x32xi32, #tpu.memory_space<vmem>>) offsets(%dma_start3A_74 : memref<32xi32, #tpu.memory_space<vmem>>) semaphore(%arg12 : memref<!tpu.dma_semaphore, #tpu.memory_space<semaphore_mem>>)
    %rem3A_78 = arith.constant 5 : i32
    %rem3A_79 = arith.constant 6 : i32
    %rem3A_80 = arith.remsi %rem3A_78, %rem3A_79 : i32
    %mul3A_81 = arith.constant 32 : i32
    %mul3A_82 = arith.muli %rem3A_80, %mul3A_81 : i32
    %dma_start3A_83 = arith.constant 5 : i32
    %dma_start3A_84 = arith.constant 0 : i32
    %dma_start3A_85 = tpu.memref_slice %arg8[%mul3A_82, %dma_start3A_84] : memref<192x32xi32, #tpu.memory_space<vmem>> -> memref<32x32xi32, #tpu.memory_space<vmem>>
    %dma_start3A_86 = arith.constant 0 : i32
    %dma_start3A_87 = tpu.memref_slice %arg7[%dma_start3A_83, %dma_start3A_86] : memref<128x32xi32, #tpu.memory_space<vmem>> -> memref<1x32xi32, #tpu.memory_space<vmem>>
    %dma_start3A_88 = tpu.memref_squeeze %dma_start3A_87 : memref<1x32xi32, #tpu.memory_space<vmem>> -> memref<32xi32, #tpu.memory_space<vmem>>
    %dma_start3A_89 = arith.constant 0 : i32
    %dma_start3A_90 = arith.constant 0 : i32
    %dma_start3A_91 = tpu.memref_slice %arg10[%dma_start3A_89, %dma_start3A_90] : memref<1872x32xi32, #tpu.memory_space<vmem_shared>> -> memref<1872x32xi32, #tpu.memory_space<vmem_shared>>
    tpu.enqueue_indirect_dma source(%dma_start3A_91 : memref<1872x32xi32, #tpu.memory_space<vmem_shared>>) target(%dma_start3A_85 : memref<32x32xi32, #tpu.memory_space<vmem>>) offsets(%dma_start3A_88 : memref<32xi32, #tpu.memory_space<vmem>>) semaphore(%arg12 : memref<!tpu.dma_semaphore, #tpu.memory_space<semaphore_mem>>)
    %broadcast_in_dim3A = arith.constant -65536 : i32
    %broadcast_in_dim3A_92 = vector.broadcast %broadcast_in_dim3A : i32 to vector<16xi32>
    %scan3A = arith.constant 0 : i32
    %scan3A_93 = arith.constant 0 : i32
    %scan3A_94 = arith.constant 128 : i32
    %scan3A_95 = arith.addi %scan3A_93, %scan3A_94 : i32
    %scan3A_96 = arith.constant 2 : i32
    scf.for %scan3A_98 = %scan3A_93 to %scan3A_95 step %scan3A_96  : i32 {
      %rem3A_99 = arith.constant 6 : i32
      %rem3A_100 = arith.remsi %scan3A_98, %rem3A_99 : i32
      %mul3A_101 = arith.constant 32 : i32
      %mul3A_102 = arith.muli %rem3A_100, %mul3A_101 : i32
      %dma_wait3A_103 = arith.constant 0 : i32
      %dma_wait3A_104 = tpu.memref_slice %arg8[%mul3A_102, %dma_wait3A_103] : memref<192x32xi32, #tpu.memory_space<vmem>> -> memref<32x32xi32, #tpu.memory_space<vmem>>
      %dma_wait3A_105 = arith.constant 0 : i32
      %dma_wait3A_106 = arith.constant 0 : i32
      %dma_wait3A_107 = tpu.memref_slice %arg4[%dma_wait3A_105, %dma_wait3A_106] : memref<1872x32xi32, #tpu.memory_space<hbm>> -> memref<32x32xi32, #tpu.memory_space<hbm>>
      %dma_wait3A_108 = arith.constant 0 : i32
      %dma_wait3A_109 = tpu.memref_slice %arg8[%mul3A_102, %dma_wait3A_108] : memref<192x32xi32, #tpu.memory_space<vmem>> -> memref<32x32xi32, #tpu.memory_space<vmem>>
      %dma_wait3A_110 = arith.constant 0 : i32
      %dma_wait3A_111 = arith.constant 0 : i32
      %dma_wait3A_112 = tpu.memref_slice %arg4[%dma_wait3A_110, %dma_wait3A_111] : memref<1872x32xi32, #tpu.memory_space<hbm>> -> memref<32x32xi32, #tpu.memory_space<hbm>>
      tpu.wait_dma2 semaphore(%arg12 : memref<!tpu.dma_semaphore, #tpu.memory_space<semaphore_mem>>) src(%dma_wait3A_112 : memref<32x32xi32, #tpu.memory_space<hbm>>) dst(%dma_wait3A_109 : memref<32x32xi32, #tpu.memory_space<vmem>>)
      %broadcast_in_dim3A_113 = arith.constant 0.000000e+00 : f32
      %broadcast_in_dim3A_114 = vector.broadcast %broadcast_in_dim3A_113 : f32 to vector<16xf32>
      %broadcast_in_dim3A_115 = arith.constant 0.000000e+00 : f32
      %broadcast_in_dim3A_116 = vector.broadcast %broadcast_in_dim3A_115 : f32 to vector<16xf32>
      %broadcast_in_dim3A_117 = arith.constant 0.000000e+00 : f32
      %broadcast_in_dim3A_118 = vector.broadcast %broadcast_in_dim3A_117 : f32 to vector<16xf32>
      %broadcast_in_dim3A_119 = arith.constant 0.000000e+00 : f32
      %broadcast_in_dim3A_120 = vector.broadcast %broadcast_in_dim3A_119 : f32 to vector<16xf32>
      %add3A_121 = arith.constant 0 : i32
      %add3A_122 = arith.addi %mul3A_102, %add3A_121 : i32
      %get3A = arith.index_cast %add3A_122 : i32 to index
      %get3A_123 = arith.constant 0 : index
      %get3A_124 = tpu.vector_load %arg8[%get3A, %get3A_123] {strides = array<i32>} : memref<192x32xi32, #tpu.memory_space<vmem>>, vector<16xi32>,
      %get3A_125 = arith.index_cast %add3A_122 : i32 to index
      %get3A_126 = arith.constant 16 : index
      %get3A_127 = tpu.vector_load %arg8[%get3A_125, %get3A_126] {strides = array<i32>} : memref<192x32xi32, #tpu.memory_space<vmem>>, vector<16xi32>,
      %shift_left3A = arith.constant 16 : i32
      %shift_left3A_128 = vector.broadcast %shift_left3A : i32 to vector<16xi32>
      %shift_left3A_129 = arith.shli %get3A_124, %shift_left3A_128 : vector<16xi32>
      %bitcast3A = vector.bitcast %shift_left3A_129 : vector<16xi32> to vector<16xf32>
      %add3A_130 = arith.addf %broadcast_in_dim3A_114, %bitcast3A : vector<16xf32>
      %and3A = arith.andi %get3A_124, %broadcast_in_dim3A_92 : vector<16xi32>
      %bitcast3A_131 = vector.bitcast %and3A : vector<16xi32> to vector<16xf32>
      %add3A_132 = arith.addf %broadcast_in_dim3A_116, %bitcast3A_131 : vector<16xf32>
      %shift_left3A_133 = arith.constant 16 : i32
      %shift_left3A_134 = vector.broadcast %shift_left3A_133 : i32 to vector<16xi32>
      %shift_left3A_135 = arith.shli %get3A_127, %shift_left3A_134 : vector<16xi32>
      %bitcast3A_136 = vector.bitcast %shift_left3A_135 : vector<16xi32> to vector<16xf32>
      %add3A_137 = arith.addf %broadcast_in_dim3A_118, %bitcast3A_136 : vector<16xf32>
      %and3A_138 = arith.andi %get3A_127, %broadcast_in_dim3A_92 : vector<16xi32>
      %bitcast3A_139 = vector.bitcast %and3A_138 : vector<16xi32> to vector<16xf32>
      %add3A_140 = arith.addf %broadcast_in_dim3A_120, %bitcast3A_139 : vector<16xf32>
      %add3A_141 = arith.constant 1 : i32
      %add3A_142 = arith.addi %mul3A_102, %add3A_141 : i32
      %get3A_143 = arith.index_cast %add3A_142 : i32 to index
      %get3A_144 = arith.constant 0 : index
      %get3A_145 = tpu.vector_load %arg8[%get3A_143, %get3A_144] {strides = array<i32>} : memref<192x32xi32, #tpu.memory_space<vmem>>, vector<16xi32>,
      %get3A_146 = arith.index_cast %add3A_142 : i32 to index
      %get3A_147 = arith.constant 16 : index
      %get3A_148 = tpu.vector_load %arg8[%get3A_146, %get3A_147] {strides = array<i32>} : memref<192x32xi32, #tpu.memory_space<vmem>>, vector<16xi32>,
      %shift_left3A_149 = arith.constant 16 : i32
      %shift_left3A_150 = vector.broadcast %shift_left3A_149 : i32 to vector<16xi32>
      %shift_left3A_151 = arith.shli %get3A_145, %shift_left3A_150 : vector<16xi32>
      %bitcast3A_152 = vector.bitcast %shift_left3A_151 : vector<16xi32> to vector<16xf32>
      %add3A_153 = arith.addf %add3A_130, %bitcast3A_152 : vector<16xf32>
      %and3A_154 = arith.andi %get3A_145, %broadcast_in_dim3A_92 : vector<16xi32>
      %bitcast3A_155 = vector.bitcast %and3A_154 : vector<16xi32> to vector<16xf32>
      %add3A_156 = arith.addf %add3A_132, %bitcast3A_155 : vector<16xf32>
      %shift_left3A_157 = arith.constant 16 : i32
      %shift_left3A_158 = vector.broadcast %shift_left3A_157 : i32 to vector<16xi32>
      %shift_left3A_159 = arith.shli %get3A_148, %shift_left3A_158 : vector<16xi32>
      %bitcast3A_160 = vector.bitcast %shift_left3A_159 : vector<16xi32> to vector<16xf32>
      %add3A_161 = arith.addf %add3A_137, %bitcast3A_160 : vector<16xf32>
      %and3A_162 = arith.andi %get3A_148, %broadcast_in_dim3A_92 : vector<16xi32>
      %bitcast3A_163 = vector.bitcast %and3A_162 : vector<16xi32> to vector<16xf32>
      %add3A_164 = arith.addf %add3A_140, %bitcast3A_163 : vector<16xf32>
      %add3A_165 = arith.constant 2 : i32
      %add3A_166 = arith.addi %mul3A_102, %add3A_165 : i32
      %get3A_167 = arith.index_cast %add3A_166 : i32 to index
      %get3A_168 = arith.constant 0 : index
      %get3A_169 = tpu.vector_load %arg8[%get3A_167, %get3A_168] {strides = array<i32>} : memref<192x32xi32, #tpu.memory_space<vmem>>, vector<16xi32>,
      %get3A_170 = arith.index_cast %add3A_166 : i32 to index
      %get3A_171 = arith.constant 16 : index
      %get3A_172 = tpu.vector_load %arg8[%get3A_170, %get3A_171] {strides = array<i32>} : memref<192x32xi32, #tpu.memory_space<vmem>>, vector<16xi32>,
      %shift_left3A_173 = arith.constant 16 : i32
      %shift_left3A_174 = vector.broadcast %shift_left3A_173 : i32 to vector<16xi32>
      %shift_left3A_175 = arith.shli %get3A_169, %shift_left3A_174 : vector<16xi32>
      %bitcast3A_176 = vector.bitcast %shift_left3A_175 : vector<16xi32> to vector<16xf32>
      %add3A_177 = arith.addf %add3A_153, %bitcast3A_176 : vector<16xf32>
      %and3A_178 = arith.andi %get3A_169, %broadcast_in_dim3A_92 : vector<16xi32>
      %bitcast3A_179 = vector.bitcast %and3A_178 : vector<16xi32> to vector<16xf32>
      %add3A_180 = arith.addf %add3A_156, %bitcast3A_179 : vector<16xf32>
      %shift_left3A_181 = arith.constant 16 : i32
      %shift_left3A_182 = vector.broadcast %shift_left3A_181 : i32 to vector<16xi32>
      %shift_left3A_183 = arith.shli %get3A_172, %shift_left3A_182 : vector<16xi32>
      %bitcast3A_184 = vector.bitcast %shift_left3A_183 : vector<16xi32> to vector<16xf32>
      %add3A_185 = arith.addf %add3A_161, %bitcast3A_184 : vector<16xf32>
      %and3A_186 = arith.andi %get3A_172, %broadcast_in_dim3A_92 : vector<16xi32>
      %bitcast3A_187 = vector.bitcast %and3A_186 : vector<16xi32> to vector<16xf32>
      %add3A_188 = arith.addf %add3A_164, %bitcast3A_187 : vector<16xf32>
      %add3A_189 = arith.constant 3 : i32
      %add3A_190 = arith.addi %mul3A_102, %add3A_189 : i32
      %get3A_191 = arith.index_cast %add3A_190 : i32 to index
      %get3A_192 = arith.constant 0 : index
      %get3A_193 = tpu.vector_load %arg8[%get3A_191, %get3A_192] {strides = array<i32>} : memref<192x32xi32, #tpu.memory_space<vmem>>, vector<16xi32>,
      %get3A_194 = arith.index_cast %add3A_190 : i32 to index
      %get3A_195 = arith.constant 16 : index
      %get3A_196 = tpu.vector_load %arg8[%get3A_194, %get3A_195] {strides = array<i32>} : memref<192x32xi32, #tpu.memory_space<vmem>>, vector<16xi32>,
      %shift_left3A_197 = arith.constant 16 : i32
      %shift_left3A_198 = vector.broadcast %shift_left3A_197 : i32 to vector<16xi32>
      %shift_left3A_199 = arith.shli %get3A_193, %shift_left3A_198 : vector<16xi32>
      %bitcast3A_200 = vector.bitcast %shift_left3A_199 : vector<16xi32> to vector<16xf32>
      %add3A_201 = arith.addf %add3A_177, %bitcast3A_200 : vector<16xf32>
      %and3A_202 = arith.andi %get3A_193, %broadcast_in_dim3A_92 : vector<16xi32>
      %bitcast3A_203 = vector.bitcast %and3A_202 : vector<16xi32> to vector<16xf32>
      %add3A_204 = arith.addf %add3A_180, %bitcast3A_203 : vector<16xf32>
      %shift_left3A_205 = arith.constant 16 : i32
      %shift_left3A_206 = vector.broadcast %shift_left3A_205 : i32 to vector<16xi32>
      %shift_left3A_207 = arith.shli %get3A_196, %shift_left3A_206 : vector<16xi32>
      %bitcast3A_208 = vector.bitcast %shift_left3A_207 : vector<16xi32> to vector<16xf32>
      %add3A_209 = arith.addf %add3A_185, %bitcast3A_208 : vector<16xf32>
      %and3A_210 = arith.andi %get3A_196, %broadcast_in_dim3A_92 : vector<16xi32>
      %bitcast3A_211 = vector.bitcast %and3A_210 : vector<16xi32> to vector<16xf32>
      %add3A_212 = arith.addf %add3A_188, %bitcast3A_211 : vector<16xf32>
      %add3A_213 = arith.constant 4 : i32
      %add3A_214 = arith.addi %mul3A_102, %add3A_213 : i32
      %get3A_215 = arith.index_cast %add3A_214 : i32 to index
      %get3A_216 = arith.constant 0 : index
      %get3A_217 = tpu.vector_load %arg8[%get3A_215, %get3A_216] {strides = array<i32>} : memref<192x32xi32, #tpu.memory_space<vmem>>, vector<16xi32>,
      %get3A_218 = arith.index_cast %add3A_214 : i32 to index
      %get3A_219 = arith.constant 16 : index
      %get3A_220 = tpu.vector_load %arg8[%get3A_218, %get3A_219] {strides = array<i32>} : memref<192x32xi32, #tpu.memory_space<vmem>>, vector<16xi32>,
      %shift_left3A_221 = arith.constant 16 : i32
      %shift_left3A_222 = vector.broadcast %shift_left3A_221 : i32 to vector<16xi32>
      %shift_left3A_223 = arith.shli %get3A_217, %shift_left3A_222 : vector<16xi32>
      %bitcast3A_224 = vector.bitcast %shift_left3A_223 : vector<16xi32> to vector<16xf32>
      %add3A_225 = arith.addf %add3A_201, %bitcast3A_224 : vector<16xf32>
      %and3A_226 = arith.andi %get3A_217, %broadcast_in_dim3A_92 : vector<16xi32>
      %bitcast3A_227 = vector.bitcast %and3A_226 : vector<16xi32> to vector<16xf32>
      %add3A_228 = arith.addf %add3A_204, %bitcast3A_227 : vector<16xf32>
      %shift_left3A_229 = arith.constant 16 : i32
      %shift_left3A_230 = vector.broadcast %shift_left3A_229 : i32 to vector<16xi32>
      %shift_left3A_231 = arith.shli %get3A_220, %shift_left3A_230 : vector<16xi32>
      %bitcast3A_232 = vector.bitcast %shift_left3A_231 : vector<16xi32> to vector<16xf32>
      %add3A_233 = arith.addf %add3A_209, %bitcast3A_232 : vector<16xf32>
      %and3A_234 = arith.andi %get3A_220, %broadcast_in_dim3A_92 : vector<16xi32>
      %bitcast3A_235 = vector.bitcast %and3A_234 : vector<16xi32> to vector<16xf32>
      %add3A_236 = arith.addf %add3A_212, %bitcast3A_235 : vector<16xf32>
      %add3A_237 = arith.constant 5 : i32
      %add3A_238 = arith.addi %mul3A_102, %add3A_237 : i32
      %get3A_239 = arith.index_cast %add3A_238 : i32 to index
      %get3A_240 = arith.constant 0 : index
      %get3A_241 = tpu.vector_load %arg8[%get3A_239, %get3A_240] {strides = array<i32>} : memref<192x32xi32, #tpu.memory_space<vmem>>, vector<16xi32>,
      %get3A_242 = arith.index_cast %add3A_238 : i32 to index
      %get3A_243 = arith.constant 16 : index
      %get3A_244 = tpu.vector_load %arg8[%get3A_242, %get3A_243] {strides = array<i32>} : memref<192x32xi32, #tpu.memory_space<vmem>>, vector<16xi32>,
      %shift_left3A_245 = arith.constant 16 : i32
      %shift_left3A_246 = vector.broadcast %shift_left3A_245 : i32 to vector<16xi32>
      %shift_left3A_247 = arith.shli %get3A_241, %shift_left3A_246 : vector<16xi32>
      %bitcast3A_248 = vector.bitcast %shift_left3A_247 : vector<16xi32> to vector<16xf32>
      %add3A_249 = arith.addf %add3A_225, %bitcast3A_248 : vector<16xf32>
      %and3A_250 = arith.andi %get3A_241, %broadcast_in_dim3A_92 : vector<16xi32>
      %bitcast3A_251 = vector.bitcast %and3A_250 : vector<16xi32> to vector<16xf32>
      %add3A_252 = arith.addf %add3A_228, %bitcast3A_251 : vector<16xf32>
      %shift_left3A_253 = arith.constant 16 : i32
      %shift_left3A_254 = vector.broadcast %shift_left3A_253 : i32 to vector<16xi32>
      %shift_left3A_255 = arith.shli %get3A_244, %shift_left3A_254 : vector<16xi32>
      %bitcast3A_256 = vector.bitcast %shift_left3A_255 : vector<16xi32> to vector<16xf32>
      %add3A_257 = arith.addf %add3A_233, %bitcast3A_256 : vector<16xf32>
      %and3A_258 = arith.andi %get3A_244, %broadcast_in_dim3A_92 : vector<16xi32>
      %bitcast3A_259 = vector.bitcast %and3A_258 : vector<16xi32> to vector<16xf32>
      %add3A_260 = arith.addf %add3A_236, %bitcast3A_259 : vector<16xf32>
      %add3A_261 = arith.constant 6 : i32
      %add3A_262 = arith.addi %mul3A_102, %add3A_261 : i32
      %get3A_263 = arith.index_cast %add3A_262 : i32 to index
      %get3A_264 = arith.constant 0 : index
      %get3A_265 = tpu.vector_load %arg8[%get3A_263, %get3A_264] {strides = array<i32>} : memref<192x32xi32, #tpu.memory_space<vmem>>, vector<16xi32>,
      %get3A_266 = arith.index_cast %add3A_262 : i32 to index
      %get3A_267 = arith.constant 16 : index
      %get3A_268 = tpu.vector_load %arg8[%get3A_266, %get3A_267] {strides = array<i32>} : memref<192x32xi32, #tpu.memory_space<vmem>>, vector<16xi32>,
      %shift_left3A_269 = arith.constant 16 : i32
      %shift_left3A_270 = vector.broadcast %shift_left3A_269 : i32 to vector<16xi32>
      %shift_left3A_271 = arith.shli %get3A_265, %shift_left3A_270 : vector<16xi32>
      %bitcast3A_272 = vector.bitcast %shift_left3A_271 : vector<16xi32> to vector<16xf32>
      %add3A_273 = arith.addf %add3A_249, %bitcast3A_272 : vector<16xf32>
      %and3A_274 = arith.andi %get3A_265, %broadcast_in_dim3A_92 : vector<16xi32>
      %bitcast3A_275 = vector.bitcast %and3A_274 : vector<16xi32> to vector<16xf32>
      %add3A_276 = arith.addf %add3A_252, %bitcast3A_275 : vector<16xf32>
      %shift_left3A_277 = arith.constant 16 : i32
      %shift_left3A_278 = vector.broadcast %shift_left3A_277 : i32 to vector<16xi32>
      %shift_left3A_279 = arith.shli %get3A_268, %shift_left3A_278 : vector<16xi32>
      %bitcast3A_280 = vector.bitcast %shift_left3A_279 : vector<16xi32> to vector<16xf32>
      %add3A_281 = arith.addf %add3A_257, %bitcast3A_280 : vector<16xf32>
      %and3A_282 = arith.andi %get3A_268, %broadcast_in_dim3A_92 : vector<16xi32>
      %bitcast3A_283 = vector.bitcast %and3A_282 : vector<16xi32> to vector<16xf32>
      %add3A_284 = arith.addf %add3A_260, %bitcast3A_283 : vector<16xf32>
      %add3A_285 = arith.constant 7 : i32
      %add3A_286 = arith.addi %mul3A_102, %add3A_285 : i32
      %get3A_287 = arith.index_cast %add3A_286 : i32 to index
      %get3A_288 = arith.constant 0 : index
      %get3A_289 = tpu.vector_load %arg8[%get3A_287, %get3A_288] {strides = array<i32>} : memref<192x32xi32, #tpu.memory_space<vmem>>, vector<16xi32>,
      %get3A_290 = arith.index_cast %add3A_286 : i32 to index
      %get3A_291 = arith.constant 16 : index
      %get3A_292 = tpu.vector_load %arg8[%get3A_290, %get3A_291] {strides = array<i32>} : memref<192x32xi32, #tpu.memory_space<vmem>>, vector<16xi32>,
      %shift_left3A_293 = arith.constant 16 : i32
      %shift_left3A_294 = vector.broadcast %shift_left3A_293 : i32 to vector<16xi32>
      %shift_left3A_295 = arith.shli %get3A_289, %shift_left3A_294 : vector<16xi32>
      %bitcast3A_296 = vector.bitcast %shift_left3A_295 : vector<16xi32> to vector<16xf32>
      %add3A_297 = arith.addf %add3A_273, %bitcast3A_296 : vector<16xf32>
      %and3A_298 = arith.andi %get3A_289, %broadcast_in_dim3A_92 : vector<16xi32>
      %bitcast3A_299 = vector.bitcast %and3A_298 : vector<16xi32> to vector<16xf32>
      %add3A_300 = arith.addf %add3A_276, %bitcast3A_299 : vector<16xf32>
      %shift_left3A_301 = arith.constant 16 : i32
      %shift_left3A_302 = vector.broadcast %shift_left3A_301 : i32 to vector<16xi32>
      %shift_left3A_303 = arith.shli %get3A_292, %shift_left3A_302 : vector<16xi32>
      %bitcast3A_304 = vector.bitcast %shift_left3A_303 : vector<16xi32> to vector<16xf32>
      %add3A_305 = arith.addf %add3A_281, %bitcast3A_304 : vector<16xf32>
      %and3A_306 = arith.andi %get3A_292, %broadcast_in_dim3A_92 : vector<16xi32>
      %bitcast3A_307 = vector.bitcast %and3A_306 : vector<16xi32> to vector<16xf32>
      %add3A_308 = arith.addf %add3A_284, %bitcast3A_307 : vector<16xf32>
      %add3A_309 = arith.constant 8 : i32
      %add3A_310 = arith.addi %mul3A_102, %add3A_309 : i32
      %get3A_311 = arith.index_cast %add3A_310 : i32 to index
      %get3A_312 = arith.constant 0 : index
      %get3A_313 = tpu.vector_load %arg8[%get3A_311, %get3A_312] {strides = array<i32>} : memref<192x32xi32, #tpu.memory_space<vmem>>, vector<16xi32>,
      %get3A_314 = arith.index_cast %add3A_310 : i32 to index
      %get3A_315 = arith.constant 16 : index
      %get3A_316 = tpu.vector_load %arg8[%get3A_314, %get3A_315] {strides = array<i32>} : memref<192x32xi32, #tpu.memory_space<vmem>>, vector<16xi32>,
      %shift_left3A_317 = arith.constant 16 : i32
      %shift_left3A_318 = vector.broadcast %shift_left3A_317 : i32 to vector<16xi32>
      %shift_left3A_319 = arith.shli %get3A_313, %shift_left3A_318 : vector<16xi32>
      %bitcast3A_320 = vector.bitcast %shift_left3A_319 : vector<16xi32> to vector<16xf32>
      %add3A_321 = arith.addf %add3A_297, %bitcast3A_320 : vector<16xf32>
      %and3A_322 = arith.andi %get3A_313, %broadcast_in_dim3A_92 : vector<16xi32>
      %bitcast3A_323 = vector.bitcast %and3A_322 : vector<16xi32> to vector<16xf32>
      %add3A_324 = arith.addf %add3A_300, %bitcast3A_323 : vector<16xf32>
      %shift_left3A_325 = arith.constant 16 : i32
      %shift_left3A_326 = vector.broadcast %shift_left3A_325 : i32 to vector<16xi32>
      %shift_left3A_327 = arith.shli %get3A_316, %shift_left3A_326 : vector<16xi32>
      %bitcast3A_328 = vector.bitcast %shift_left3A_327 : vector<16xi32> to vector<16xf32>
      %add3A_329 = arith.addf %add3A_305, %bitcast3A_328 : vector<16xf32>
      %and3A_330 = arith.andi %get3A_316, %broadcast_in_dim3A_92 : vector<16xi32>
      %bitcast3A_331 = vector.bitcast %and3A_330 : vector<16xi32> to vector<16xf32>
      %add3A_332 = arith.addf %add3A_308, %bitcast3A_331 : vector<16xf32>
      %add3A_333 = arith.constant 9 : i32
      %add3A_334 = arith.addi %mul3A_102, %add3A_333 : i32
      %get3A_335 = arith.index_cast %add3A_334 : i32 to index
      %get3A_336 = arith.constant 0 : index
      %get3A_337 = tpu.vector_load %arg8[%get3A_335, %get3A_336] {strides = array<i32>} : memref<192x32xi32, #tpu.memory_space<vmem>>, vector<16xi32>,
      %get3A_338 = arith.index_cast %add3A_334 : i32 to index
      %get3A_339 = arith.constant 16 : index
      %get3A_340 = tpu.vector_load %arg8[%get3A_338, %get3A_339] {strides = array<i32>} : memref<192x32xi32, #tpu.memory_space<vmem>>, vector<16xi32>,
      %shift_left3A_341 = arith.constant 16 : i32
      %shift_left3A_342 = vector.broadcast %shift_left3A_341 : i32 to vector<16xi32>
      %shift_left3A_343 = arith.shli %get3A_337, %shift_left3A_342 : vector<16xi32>
      %bitcast3A_344 = vector.bitcast %shift_left3A_343 : vector<16xi32> to vector<16xf32>
      %add3A_345 = arith.addf %add3A_321, %bitcast3A_344 : vector<16xf32>
      %and3A_346 = arith.andi %get3A_337, %broadcast_in_dim3A_92 : vector<16xi32>
      %bitcast3A_347 = vector.bitcast %and3A_346 : vector<16xi32> to vector<16xf32>
      %add3A_348 = arith.addf %add3A_324, %bitcast3A_347 : vector<16xf32>
      %shift_left3A_349 = arith.constant 16 : i32
      %shift_left3A_350 = vector.broadcast %shift_left3A_349 : i32 to vector<16xi32>
      %shift_left3A_351 = arith.shli %get3A_340, %shift_left3A_350 : vector<16xi32>
      %bitcast3A_352 = vector.bitcast %shift_left3A_351 : vector<16xi32> to vector<16xf32>
      %add3A_353 = arith.addf %add3A_329, %bitcast3A_352 : vector<16xf32>
      %and3A_354 = arith.andi %get3A_340, %broadcast_in_dim3A_92 : vector<16xi32>
      %bitcast3A_355 = vector.bitcast %and3A_354 : vector<16xi32> to vector<16xf32>
      %add3A_356 = arith.addf %add3A_332, %bitcast3A_355 : vector<16xf32>
      %add3A_357 = arith.constant 10 : i32
      %add3A_358 = arith.addi %mul3A_102, %add3A_357 : i32
      %get3A_359 = arith.index_cast %add3A_358 : i32 to index
      %get3A_360 = arith.constant 0 : index
      %get3A_361 = tpu.vector_load %arg8[%get3A_359, %get3A_360] {strides = array<i32>} : memref<192x32xi32, #tpu.memory_space<vmem>>, vector<16xi32>,
      %get3A_362 = arith.index_cast %add3A_358 : i32 to index
      %get3A_363 = arith.constant 16 : index
      %get3A_364 = tpu.vector_load %arg8[%get3A_362, %get3A_363] {strides = array<i32>} : memref<192x32xi32, #tpu.memory_space<vmem>>, vector<16xi32>,
      %shift_left3A_365 = arith.constant 16 : i32
      %shift_left3A_366 = vector.broadcast %shift_left3A_365 : i32 to vector<16xi32>
      %shift_left3A_367 = arith.shli %get3A_361, %shift_left3A_366 : vector<16xi32>
      %bitcast3A_368 = vector.bitcast %shift_left3A_367 : vector<16xi32> to vector<16xf32>
      %add3A_369 = arith.addf %add3A_345, %bitcast3A_368 : vector<16xf32>
      %and3A_370 = arith.andi %get3A_361, %broadcast_in_dim3A_92 : vector<16xi32>
      %bitcast3A_371 = vector.bitcast %and3A_370 : vector<16xi32> to vector<16xf32>
      %add3A_372 = arith.addf %add3A_348, %bitcast3A_371 : vector<16xf32>
      %shift_left3A_373 = arith.constant 16 : i32
      %shift_left3A_374 = vector.broadcast %shift_left3A_373 : i32 to vector<16xi32>
      %shift_left3A_375 = arith.shli %get3A_364, %shift_left3A_374 : vector<16xi32>
      %bitcast3A_376 = vector.bitcast %shift_left3A_375 : vector<16xi32> to vector<16xf32>
      %add3A_377 = arith.addf %add3A_353, %bitcast3A_376 : vector<16xf32>
      %and3A_378 = arith.andi %get3A_364, %broadcast_in_dim3A_92 : vector<16xi32>
      %bitcast3A_379 = vector.bitcast %and3A_378 : vector<16xi32> to vector<16xf32>
      %add3A_380 = arith.addf %add3A_356, %bitcast3A_379 : vector<16xf32>
      %add3A_381 = arith.constant 11 : i32
      %add3A_382 = arith.addi %mul3A_102, %add3A_381 : i32
      %get3A_383 = arith.index_cast %add3A_382 : i32 to index
      %get3A_384 = arith.constant 0 : index
      %get3A_385 = tpu.vector_load %arg8[%get3A_383, %get3A_384] {strides = array<i32>} : memref<192x32xi32, #tpu.memory_space<vmem>>, vector<16xi32>,
      %get3A_386 = arith.index_cast %add3A_382 : i32 to index
      %get3A_387 = arith.constant 16 : index
      %get3A_388 = tpu.vector_load %arg8[%get3A_386, %get3A_387] {strides = array<i32>} : memref<192x32xi32, #tpu.memory_space<vmem>>, vector<16xi32>,
      %shift_left3A_389 = arith.constant 16 : i32
      %shift_left3A_390 = vector.broadcast %shift_left3A_389 : i32 to vector<16xi32>
      %shift_left3A_391 = arith.shli %get3A_385, %shift_left3A_390 : vector<16xi32>
      %bitcast3A_392 = vector.bitcast %shift_left3A_391 : vector<16xi32> to vector<16xf32>
      %add3A_393 = arith.addf %add3A_369, %bitcast3A_392 : vector<16xf32>
      %and3A_394 = arith.andi %get3A_385, %broadcast_in_dim3A_92 : vector<16xi32>
      %bitcast3A_395 = vector.bitcast %and3A_394 : vector<16xi32> to vector<16xf32>
      %add3A_396 = arith.addf %add3A_372, %bitcast3A_395 : vector<16xf32>
      %shift_left3A_397 = arith.constant 16 : i32
      %shift_left3A_398 = vector.broadcast %shift_left3A_397 : i32 to vector<16xi32>
      %shift_left3A_399 = arith.shli %get3A_388, %shift_left3A_398 : vector<16xi32>
      %bitcast3A_400 = vector.bitcast %shift_left3A_399 : vector<16xi32> to vector<16xf32>
      %add3A_401 = arith.addf %add3A_377, %bitcast3A_400 : vector<16xf32>
      %and3A_402 = arith.andi %get3A_388, %broadcast_in_dim3A_92 : vector<16xi32>
      %bitcast3A_403 = vector.bitcast %and3A_402 : vector<16xi32> to vector<16xf32>
      %add3A_404 = arith.addf %add3A_380, %bitcast3A_403 : vector<16xf32>
      %add3A_405 = arith.constant 12 : i32
      %add3A_406 = arith.addi %mul3A_102, %add3A_405 : i32
      %get3A_407 = arith.index_cast %add3A_406 : i32 to index
      %get3A_408 = arith.constant 0 : index
      %get3A_409 = tpu.vector_load %arg8[%get3A_407, %get3A_408] {strides = array<i32>} : memref<192x32xi32, #tpu.memory_space<vmem>>, vector<16xi32>,
      %get3A_410 = arith.index_cast %add3A_406 : i32 to index
      %get3A_411 = arith.constant 16 : index
      %get3A_412 = tpu.vector_load %arg8[%get3A_410, %get3A_411] {strides = array<i32>} : memref<192x32xi32, #tpu.memory_space<vmem>>, vector<16xi32>,
      %shift_left3A_413 = arith.constant 16 : i32
      %shift_left3A_414 = vector.broadcast %shift_left3A_413 : i32 to vector<16xi32>
      %shift_left3A_415 = arith.shli %get3A_409, %shift_left3A_414 : vector<16xi32>
      %bitcast3A_416 = vector.bitcast %shift_left3A_415 : vector<16xi32> to vector<16xf32>
      %add3A_417 = arith.addf %add3A_393, %bitcast3A_416 : vector<16xf32>
      %and3A_418 = arith.andi %get3A_409, %broadcast_in_dim3A_92 : vector<16xi32>
      %bitcast3A_419 = vector.bitcast %and3A_418 : vector<16xi32> to vector<16xf32>
      %add3A_420 = arith.addf %add3A_396, %bitcast3A_419 : vector<16xf32>
      %shift_left3A_421 = arith.constant 16 : i32
      %shift_left3A_422 = vector.broadcast %shift_left3A_421 : i32 to vector<16xi32>
      %shift_left3A_423 = arith.shli %get3A_412, %shift_left3A_422 : vector<16xi32>
      %bitcast3A_424 = vector.bitcast %shift_left3A_423 : vector<16xi32> to vector<16xf32>
      %add3A_425 = arith.addf %add3A_401, %bitcast3A_424 : vector<16xf32>
      %and3A_426 = arith.andi %get3A_412, %broadcast_in_dim3A_92 : vector<16xi32>
      %bitcast3A_427 = vector.bitcast %and3A_426 : vector<16xi32> to vector<16xf32>
      %add3A_428 = arith.addf %add3A_404, %bitcast3A_427 : vector<16xf32>
      %add3A_429 = arith.constant 13 : i32
      %add3A_430 = arith.addi %mul3A_102, %add3A_429 : i32
      %get3A_431 = arith.index_cast %add3A_430 : i32 to index
      %get3A_432 = arith.constant 0 : index
      %get3A_433 = tpu.vector_load %arg8[%get3A_431, %get3A_432] {strides = array<i32>} : memref<192x32xi32, #tpu.memory_space<vmem>>, vector<16xi32>,
      %get3A_434 = arith.index_cast %add3A_430 : i32 to index
      %get3A_435 = arith.constant 16 : index
      %get3A_436 = tpu.vector_load %arg8[%get3A_434, %get3A_435] {strides = array<i32>} : memref<192x32xi32, #tpu.memory_space<vmem>>, vector<16xi32>,
      %shift_left3A_437 = arith.constant 16 : i32
      %shift_left3A_438 = vector.broadcast %shift_left3A_437 : i32 to vector<16xi32>
      %shift_left3A_439 = arith.shli %get3A_433, %shift_left3A_438 : vector<16xi32>
      %bitcast3A_440 = vector.bitcast %shift_left3A_439 : vector<16xi32> to vector<16xf32>
      %add3A_441 = arith.addf %add3A_417, %bitcast3A_440 : vector<16xf32>
      %and3A_442 = arith.andi %get3A_433, %broadcast_in_dim3A_92 : vector<16xi32>
      %bitcast3A_443 = vector.bitcast %and3A_442 : vector<16xi32> to vector<16xf32>
      %add3A_444 = arith.addf %add3A_420, %bitcast3A_443 : vector<16xf32>
      %shift_left3A_445 = arith.constant 16 : i32
      %shift_left3A_446 = vector.broadcast %shift_left3A_445 : i32 to vector<16xi32>
      %shift_left3A_447 = arith.shli %get3A_436, %shift_left3A_446 : vector<16xi32>
      %bitcast3A_448 = vector.bitcast %shift_left3A_447 : vector<16xi32> to vector<16xf32>
      %add3A_449 = arith.addf %add3A_425, %bitcast3A_448 : vector<16xf32>
      %and3A_450 = arith.andi %get3A_436, %broadcast_in_dim3A_92 : vector<16xi32>
      %bitcast3A_451 = vector.bitcast %and3A_450 : vector<16xi32> to vector<16xf32>
      %add3A_452 = arith.addf %add3A_428, %bitcast3A_451 : vector<16xf32>
      %add3A_453 = arith.constant 14 : i32
      %add3A_454 = arith.addi %mul3A_102, %add3A_453 : i32
      %get3A_455 = arith.index_cast %add3A_454 : i32 to index
      %get3A_456 = arith.constant 0 : index
      %get3A_457 = tpu.vector_load %arg8[%get3A_455, %get3A_456] {strides = array<i32>} : memref<192x32xi32, #tpu.memory_space<vmem>>, vector<16xi32>,
      %get3A_458 = arith.index_cast %add3A_454 : i32 to index
      %get3A_459 = arith.constant 16 : index
      %get3A_460 = tpu.vector_load %arg8[%get3A_458, %get3A_459] {strides = array<i32>} : memref<192x32xi32, #tpu.memory_space<vmem>>, vector<16xi32>,
      %shift_left3A_461 = arith.constant 16 : i32
      %shift_left3A_462 = vector.broadcast %shift_left3A_461 : i32 to vector<16xi32>
      %shift_left3A_463 = arith.shli %get3A_457, %shift_left3A_462 : vector<16xi32>
      %bitcast3A_464 = vector.bitcast %shift_left3A_463 : vector<16xi32> to vector<16xf32>
      %add3A_465 = arith.addf %add3A_441, %bitcast3A_464 : vector<16xf32>
      %and3A_466 = arith.andi %get3A_457, %broadcast_in_dim3A_92 : vector<16xi32>
      %bitcast3A_467 = vector.bitcast %and3A_466 : vector<16xi32> to vector<16xf32>
      %add3A_468 = arith.addf %add3A_444, %bitcast3A_467 : vector<16xf32>
      %shift_left3A_469 = arith.constant 16 : i32
      %shift_left3A_470 = vector.broadcast %shift_left3A_469 : i32 to vector<16xi32>
      %shift_left3A_471 = arith.shli %get3A_460, %shift_left3A_470 : vector<16xi32>
      %bitcast3A_472 = vector.bitcast %shift_left3A_471 : vector<16xi32> to vector<16xf32>
      %add3A_473 = arith.addf %add3A_449, %bitcast3A_472 : vector<16xf32>
      %and3A_474 = arith.andi %get3A_460, %broadcast_in_dim3A_92 : vector<16xi32>
      %bitcast3A_475 = vector.bitcast %and3A_474 : vector<16xi32> to vector<16xf32>
      %add3A_476 = arith.addf %add3A_452, %bitcast3A_475 : vector<16xf32>
      %add3A_477 = arith.constant 15 : i32
      %add3A_478 = arith.addi %mul3A_102, %add3A_477 : i32
      %get3A_479 = arith.index_cast %add3A_478 : i32 to index
      %get3A_480 = arith.constant 0 : index
      %get3A_481 = tpu.vector_load %arg8[%get3A_479, %get3A_480] {strides = array<i32>} : memref<192x32xi32, #tpu.memory_space<vmem>>, vector<16xi32>,
      %get3A_482 = arith.index_cast %add3A_478 : i32 to index
      %get3A_483 = arith.constant 16 : index
      %get3A_484 = tpu.vector_load %arg8[%get3A_482, %get3A_483] {strides = array<i32>} : memref<192x32xi32, #tpu.memory_space<vmem>>, vector<16xi32>,
      %shift_left3A_485 = arith.constant 16 : i32
      %shift_left3A_486 = vector.broadcast %shift_left3A_485 : i32 to vector<16xi32>
      %shift_left3A_487 = arith.shli %get3A_481, %shift_left3A_486 : vector<16xi32>
      %bitcast3A_488 = vector.bitcast %shift_left3A_487 : vector<16xi32> to vector<16xf32>
      %add3A_489 = arith.addf %add3A_465, %bitcast3A_488 : vector<16xf32>
      %and3A_490 = arith.andi %get3A_481, %broadcast_in_dim3A_92 : vector<16xi32>
      %bitcast3A_491 = vector.bitcast %and3A_490 : vector<16xi32> to vector<16xf32>
      %add3A_492 = arith.addf %add3A_468, %bitcast3A_491 : vector<16xf32>
      %shift_left3A_493 = arith.constant 16 : i32
      %shift_left3A_494 = vector.broadcast %shift_left3A_493 : i32 to vector<16xi32>
      %shift_left3A_495 = arith.shli %get3A_484, %shift_left3A_494 : vector<16xi32>
      %bitcast3A_496 = vector.bitcast %shift_left3A_495 : vector<16xi32> to vector<16xf32>
      %add3A_497 = arith.addf %add3A_473, %bitcast3A_496 : vector<16xf32>
      %and3A_498 = arith.andi %get3A_484, %broadcast_in_dim3A_92 : vector<16xi32>
      %bitcast3A_499 = vector.bitcast %and3A_498 : vector<16xi32> to vector<16xf32>
      %add3A_500 = arith.addf %add3A_476, %bitcast3A_499 : vector<16xf32>
      %add3A_501 = arith.constant 16 : i32
      %add3A_502 = arith.addi %mul3A_102, %add3A_501 : i32
      %get3A_503 = arith.index_cast %add3A_502 : i32 to index
      %get3A_504 = arith.constant 0 : index
      %get3A_505 = tpu.vector_load %arg8[%get3A_503, %get3A_504] {strides = array<i32>} : memref<192x32xi32, #tpu.memory_space<vmem>>, vector<16xi32>,
      %get3A_506 = arith.index_cast %add3A_502 : i32 to index
      %get3A_507 = arith.constant 16 : index
      %get3A_508 = tpu.vector_load %arg8[%get3A_506, %get3A_507] {strides = array<i32>} : memref<192x32xi32, #tpu.memory_space<vmem>>, vector<16xi32>,
      %shift_left3A_509 = arith.constant 16 : i32
      %shift_left3A_510 = vector.broadcast %shift_left3A_509 : i32 to vector<16xi32>
      %shift_left3A_511 = arith.shli %get3A_505, %shift_left3A_510 : vector<16xi32>
      %bitcast3A_512 = vector.bitcast %shift_left3A_511 : vector<16xi32> to vector<16xf32>
      %add3A_513 = arith.addf %add3A_489, %bitcast3A_512 : vector<16xf32>
      %and3A_514 = arith.andi %get3A_505, %broadcast_in_dim3A_92 : vector<16xi32>
      %bitcast3A_515 = vector.bitcast %and3A_514 : vector<16xi32> to vector<16xf32>
      %add3A_516 = arith.addf %add3A_492, %bitcast3A_515 : vector<16xf32>
      %shift_left3A_517 = arith.constant 16 : i32
      %shift_left3A_518 = vector.broadcast %shift_left3A_517 : i32 to vector<16xi32>
      %shift_left3A_519 = arith.shli %get3A_508, %shift_left3A_518 : vector<16xi32>
      %bitcast3A_520 = vector.bitcast %shift_left3A_519 : vector<16xi32> to vector<16xf32>
      %add3A_521 = arith.addf %add3A_497, %bitcast3A_520 : vector<16xf32>
      %and3A_522 = arith.andi %get3A_508, %broadcast_in_dim3A_92 : vector<16xi32>
      %bitcast3A_523 = vector.bitcast %and3A_522 : vector<16xi32> to vector<16xf32>
      %add3A_524 = arith.addf %add3A_500, %bitcast3A_523 : vector<16xf32>
      %add3A_525 = arith.constant 17 : i32
      %add3A_526 = arith.addi %mul3A_102, %add3A_525 : i32
      %get3A_527 = arith.index_cast %add3A_526 : i32 to index
      %get3A_528 = arith.constant 0 : index
      %get3A_529 = tpu.vector_load %arg8[%get3A_527, %get3A_528] {strides = array<i32>} : memref<192x32xi32, #tpu.memory_space<vmem>>, vector<16xi32>,
      %get3A_530 = arith.index_cast %add3A_526 : i32 to index
      %get3A_531 = arith.constant 16 : index
      %get3A_532 = tpu.vector_load %arg8[%get3A_530, %get3A_531] {strides = array<i32>} : memref<192x32xi32, #tpu.memory_space<vmem>>, vector<16xi32>,
      %shift_left3A_533 = arith.constant 16 : i32
      %shift_left3A_534 = vector.broadcast %shift_left3A_533 : i32 to vector<16xi32>
      %shift_left3A_535 = arith.shli %get3A_529, %shift_left3A_534 : vector<16xi32>
      %bitcast3A_536 = vector.bitcast %shift_left3A_535 : vector<16xi32> to vector<16xf32>
      %add3A_537 = arith.addf %add3A_513, %bitcast3A_536 : vector<16xf32>
      %and3A_538 = arith.andi %get3A_529, %broadcast_in_dim3A_92 : vector<16xi32>
      %bitcast3A_539 = vector.bitcast %and3A_538 : vector<16xi32> to vector<16xf32>
      %add3A_540 = arith.addf %add3A_516, %bitcast3A_539 : vector<16xf32>
      %shift_left3A_541 = arith.constant 16 : i32
      %shift_left3A_542 = vector.broadcast %shift_left3A_541 : i32 to vector<16xi32>
      %shift_left3A_543 = arith.shli %get3A_532, %shift_left3A_542 : vector<16xi32>
      %bitcast3A_544 = vector.bitcast %shift_left3A_543 : vector<16xi32> to vector<16xf32>
      %add3A_545 = arith.addf %add3A_521, %bitcast3A_544 : vector<16xf32>
      %and3A_546 = arith.andi %get3A_532, %broadcast_in_dim3A_92 : vector<16xi32>
      %bitcast3A_547 = vector.bitcast %and3A_546 : vector<16xi32> to vector<16xf32>
      %add3A_548 = arith.addf %add3A_524, %bitcast3A_547 : vector<16xf32>
      %add3A_549 = arith.constant 18 : i32
      %add3A_550 = arith.addi %mul3A_102, %add3A_549 : i32
      %get3A_551 = arith.index_cast %add3A_550 : i32 to index
      %get3A_552 = arith.constant 0 : index
      %get3A_553 = tpu.vector_load %arg8[%get3A_551, %get3A_552] {strides = array<i32>} : memref<192x32xi32, #tpu.memory_space<vmem>>, vector<16xi32>,
      %get3A_554 = arith.index_cast %add3A_550 : i32 to index
      %get3A_555 = arith.constant 16 : index
      %get3A_556 = tpu.vector_load %arg8[%get3A_554, %get3A_555] {strides = array<i32>} : memref<192x32xi32, #tpu.memory_space<vmem>>, vector<16xi32>,
      %shift_left3A_557 = arith.constant 16 : i32
      %shift_left3A_558 = vector.broadcast %shift_left3A_557 : i32 to vector<16xi32>
      %shift_left3A_559 = arith.shli %get3A_553, %shift_left3A_558 : vector<16xi32>
      %bitcast3A_560 = vector.bitcast %shift_left3A_559 : vector<16xi32> to vector<16xf32>
      %add3A_561 = arith.addf %add3A_537, %bitcast3A_560 : vector<16xf32>
      %and3A_562 = arith.andi %get3A_553, %broadcast_in_dim3A_92 : vector<16xi32>
      %bitcast3A_563 = vector.bitcast %and3A_562 : vector<16xi32> to vector<16xf32>
      %add3A_564 = arith.addf %add3A_540, %bitcast3A_563 : vector<16xf32>
      %shift_left3A_565 = arith.constant 16 : i32
      %shift_left3A_566 = vector.broadcast %shift_left3A_565 : i32 to vector<16xi32>
      %shift_left3A_567 = arith.shli %get3A_556, %shift_left3A_566 : vector<16xi32>
      %bitcast3A_568 = vector.bitcast %shift_left3A_567 : vector<16xi32> to vector<16xf32>
      %add3A_569 = arith.addf %add3A_545, %bitcast3A_568 : vector<16xf32>
      %and3A_570 = arith.andi %get3A_556, %broadcast_in_dim3A_92 : vector<16xi32>
      %bitcast3A_571 = vector.bitcast %and3A_570 : vector<16xi32> to vector<16xf32>
      %add3A_572 = arith.addf %add3A_548, %bitcast3A_571 : vector<16xf32>
      %add3A_573 = arith.constant 19 : i32
      %add3A_574 = arith.addi %mul3A_102, %add3A_573 : i32
      %get3A_575 = arith.index_cast %add3A_574 : i32 to index
      %get3A_576 = arith.constant 0 : index
      %get3A_577 = tpu.vector_load %arg8[%get3A_575, %get3A_576] {strides = array<i32>} : memref<192x32xi32, #tpu.memory_space<vmem>>, vector<16xi32>,
      %get3A_578 = arith.index_cast %add3A_574 : i32 to index
      %get3A_579 = arith.constant 16 : index
      %get3A_580 = tpu.vector_load %arg8[%get3A_578, %get3A_579] {strides = array<i32>} : memref<192x32xi32, #tpu.memory_space<vmem>>, vector<16xi32>,
      %shift_left3A_581 = arith.constant 16 : i32
      %shift_left3A_582 = vector.broadcast %shift_left3A_581 : i32 to vector<16xi32>
      %shift_left3A_583 = arith.shli %get3A_577, %shift_left3A_582 : vector<16xi32>
      %bitcast3A_584 = vector.bitcast %shift_left3A_583 : vector<16xi32> to vector<16xf32>
      %add3A_585 = arith.addf %add3A_561, %bitcast3A_584 : vector<16xf32>
      %and3A_586 = arith.andi %get3A_577, %broadcast_in_dim3A_92 : vector<16xi32>
      %bitcast3A_587 = vector.bitcast %and3A_586 : vector<16xi32> to vector<16xf32>
      %add3A_588 = arith.addf %add3A_564, %bitcast3A_587 : vector<16xf32>
      %shift_left3A_589 = arith.constant 16 : i32
      %shift_left3A_590 = vector.broadcast %shift_left3A_589 : i32 to vector<16xi32>
      %shift_left3A_591 = arith.shli %get3A_580, %shift_left3A_590 : vector<16xi32>
      %bitcast3A_592 = vector.bitcast %shift_left3A_591 : vector<16xi32> to vector<16xf32>
      %add3A_593 = arith.addf %add3A_569, %bitcast3A_592 : vector<16xf32>
      %and3A_594 = arith.andi %get3A_580, %broadcast_in_dim3A_92 : vector<16xi32>
      %bitcast3A_595 = vector.bitcast %and3A_594 : vector<16xi32> to vector<16xf32>
      %add3A_596 = arith.addf %add3A_572, %bitcast3A_595 : vector<16xf32>
      %add3A_597 = arith.constant 20 : i32
      %add3A_598 = arith.addi %mul3A_102, %add3A_597 : i32
      %get3A_599 = arith.index_cast %add3A_598 : i32 to index
      %get3A_600 = arith.constant 0 : index
      %get3A_601 = tpu.vector_load %arg8[%get3A_599, %get3A_600] {strides = array<i32>} : memref<192x32xi32, #tpu.memory_space<vmem>>, vector<16xi32>,
      %get3A_602 = arith.index_cast %add3A_598 : i32 to index
      %get3A_603 = arith.constant 16 : index
      %get3A_604 = tpu.vector_load %arg8[%get3A_602, %get3A_603] {strides = array<i32>} : memref<192x32xi32, #tpu.memory_space<vmem>>, vector<16xi32>,
      %shift_left3A_605 = arith.constant 16 : i32
      %shift_left3A_606 = vector.broadcast %shift_left3A_605 : i32 to vector<16xi32>
      %shift_left3A_607 = arith.shli %get3A_601, %shift_left3A_606 : vector<16xi32>
      %bitcast3A_608 = vector.bitcast %shift_left3A_607 : vector<16xi32> to vector<16xf32>
      %add3A_609 = arith.addf %add3A_585, %bitcast3A_608 : vector<16xf32>
      %and3A_610 = arith.andi %get3A_601, %broadcast_in_dim3A_92 : vector<16xi32>
      %bitcast3A_611 = vector.bitcast %and3A_610 : vector<16xi32> to vector<16xf32>
      %add3A_612 = arith.addf %add3A_588, %bitcast3A_611 : vector<16xf32>
      %shift_left3A_613 = arith.constant 16 : i32
      %shift_left3A_614 = vector.broadcast %shift_left3A_613 : i32 to vector<16xi32>
      %shift_left3A_615 = arith.shli %get3A_604, %shift_left3A_614 : vector<16xi32>
      %bitcast3A_616 = vector.bitcast %shift_left3A_615 : vector<16xi32> to vector<16xf32>
      %add3A_617 = arith.addf %add3A_593, %bitcast3A_616 : vector<16xf32>
      %and3A_618 = arith.andi %get3A_604, %broadcast_in_dim3A_92 : vector<16xi32>
      %bitcast3A_619 = vector.bitcast %and3A_618 : vector<16xi32> to vector<16xf32>
      %add3A_620 = arith.addf %add3A_596, %bitcast3A_619 : vector<16xf32>
      %add3A_621 = arith.constant 21 : i32
      %add3A_622 = arith.addi %mul3A_102, %add3A_621 : i32
      %get3A_623 = arith.index_cast %add3A_622 : i32 to index
      %get3A_624 = arith.constant 0 : index
      %get3A_625 = tpu.vector_load %arg8[%get3A_623, %get3A_624] {strides = array<i32>} : memref<192x32xi32, #tpu.memory_space<vmem>>, vector<16xi32>,
      %get3A_626 = arith.index_cast %add3A_622 : i32 to index
      %get3A_627 = arith.constant 16 : index
      %get3A_628 = tpu.vector_load %arg8[%get3A_626, %get3A_627] {strides = array<i32>} : memref<192x32xi32, #tpu.memory_space<vmem>>, vector<16xi32>,
      %shift_left3A_629 = arith.constant 16 : i32
      %shift_left3A_630 = vector.broadcast %shift_left3A_629 : i32 to vector<16xi32>
      %shift_left3A_631 = arith.shli %get3A_625, %shift_left3A_630 : vector<16xi32>
      %bitcast3A_632 = vector.bitcast %shift_left3A_631 : vector<16xi32> to vector<16xf32>
      %add3A_633 = arith.addf %add3A_609, %bitcast3A_632 : vector<16xf32>
      %and3A_634 = arith.andi %get3A_625, %broadcast_in_dim3A_92 : vector<16xi32>
      %bitcast3A_635 = vector.bitcast %and3A_634 : vector<16xi32> to vector<16xf32>
      %add3A_636 = arith.addf %add3A_612, %bitcast3A_635 : vector<16xf32>
      %shift_left3A_637 = arith.constant 16 : i32
      %shift_left3A_638 = vector.broadcast %shift_left3A_637 : i32 to vector<16xi32>
      %shift_left3A_639 = arith.shli %get3A_628, %shift_left3A_638 : vector<16xi32>
      %bitcast3A_640 = vector.bitcast %shift_left3A_639 : vector<16xi32> to vector<16xf32>
      %add3A_641 = arith.addf %add3A_617, %bitcast3A_640 : vector<16xf32>
      %and3A_642 = arith.andi %get3A_628, %broadcast_in_dim3A_92 : vector<16xi32>
      %bitcast3A_643 = vector.bitcast %and3A_642 : vector<16xi32> to vector<16xf32>
      %add3A_644 = arith.addf %add3A_620, %bitcast3A_643 : vector<16xf32>
      %add3A_645 = arith.constant 22 : i32
      %add3A_646 = arith.addi %mul3A_102, %add3A_645 : i32
      %get3A_647 = arith.index_cast %add3A_646 : i32 to index
      %get3A_648 = arith.constant 0 : index
      %get3A_649 = tpu.vector_load %arg8[%get3A_647, %get3A_648] {strides = array<i32>} : memref<192x32xi32, #tpu.memory_space<vmem>>, vector<16xi32>,
      %get3A_650 = arith.index_cast %add3A_646 : i32 to index
      %get3A_651 = arith.constant 16 : index
      %get3A_652 = tpu.vector_load %arg8[%get3A_650, %get3A_651] {strides = array<i32>} : memref<192x32xi32, #tpu.memory_space<vmem>>, vector<16xi32>,
      %shift_left3A_653 = arith.constant 16 : i32
      %shift_left3A_654 = vector.broadcast %shift_left3A_653 : i32 to vector<16xi32>
      %shift_left3A_655 = arith.shli %get3A_649, %shift_left3A_654 : vector<16xi32>
      %bitcast3A_656 = vector.bitcast %shift_left3A_655 : vector<16xi32> to vector<16xf32>
      %add3A_657 = arith.addf %add3A_633, %bitcast3A_656 : vector<16xf32>
      %and3A_658 = arith.andi %get3A_649, %broadcast_in_dim3A_92 : vector<16xi32>
      %bitcast3A_659 = vector.bitcast %and3A_658 : vector<16xi32> to vector<16xf32>
      %add3A_660 = arith.addf %add3A_636, %bitcast3A_659 : vector<16xf32>
      %shift_left3A_661 = arith.constant 16 : i32
      %shift_left3A_662 = vector.broadcast %shift_left3A_661 : i32 to vector<16xi32>
      %shift_left3A_663 = arith.shli %get3A_652, %shift_left3A_662 : vector<16xi32>
      %bitcast3A_664 = vector.bitcast %shift_left3A_663 : vector<16xi32> to vector<16xf32>
      %add3A_665 = arith.addf %add3A_641, %bitcast3A_664 : vector<16xf32>
      %and3A_666 = arith.andi %get3A_652, %broadcast_in_dim3A_92 : vector<16xi32>
      %bitcast3A_667 = vector.bitcast %and3A_666 : vector<16xi32> to vector<16xf32>
      %add3A_668 = arith.addf %add3A_644, %bitcast3A_667 : vector<16xf32>
      %add3A_669 = arith.constant 23 : i32
      %add3A_670 = arith.addi %mul3A_102, %add3A_669 : i32
      %get3A_671 = arith.index_cast %add3A_670 : i32 to index
      %get3A_672 = arith.constant 0 : index
      %get3A_673 = tpu.vector_load %arg8[%get3A_671, %get3A_672] {strides = array<i32>} : memref<192x32xi32, #tpu.memory_space<vmem>>, vector<16xi32>,
      %get3A_674 = arith.index_cast %add3A_670 : i32 to index
      %get3A_675 = arith.constant 16 : index
      %get3A_676 = tpu.vector_load %arg8[%get3A_674, %get3A_675] {strides = array<i32>} : memref<192x32xi32, #tpu.memory_space<vmem>>, vector<16xi32>,
      %shift_left3A_677 = arith.constant 16 : i32
      %shift_left3A_678 = vector.broadcast %shift_left3A_677 : i32 to vector<16xi32>
      %shift_left3A_679 = arith.shli %get3A_673, %shift_left3A_678 : vector<16xi32>
      %bitcast3A_680 = vector.bitcast %shift_left3A_679 : vector<16xi32> to vector<16xf32>
      %add3A_681 = arith.addf %add3A_657, %bitcast3A_680 : vector<16xf32>
      %and3A_682 = arith.andi %get3A_673, %broadcast_in_dim3A_92 : vector<16xi32>
      %bitcast3A_683 = vector.bitcast %and3A_682 : vector<16xi32> to vector<16xf32>
      %add3A_684 = arith.addf %add3A_660, %bitcast3A_683 : vector<16xf32>
      %shift_left3A_685 = arith.constant 16 : i32
      %shift_left3A_686 = vector.broadcast %shift_left3A_685 : i32 to vector<16xi32>
      %shift_left3A_687 = arith.shli %get3A_676, %shift_left3A_686 : vector<16xi32>
      %bitcast3A_688 = vector.bitcast %shift_left3A_687 : vector<16xi32> to vector<16xf32>
      %add3A_689 = arith.addf %add3A_665, %bitcast3A_688 : vector<16xf32>
      %and3A_690 = arith.andi %get3A_676, %broadcast_in_dim3A_92 : vector<16xi32>
      %bitcast3A_691 = vector.bitcast %and3A_690 : vector<16xi32> to vector<16xf32>
      %add3A_692 = arith.addf %add3A_668, %bitcast3A_691 : vector<16xf32>
      %add3A_693 = arith.constant 24 : i32
      %add3A_694 = arith.addi %mul3A_102, %add3A_693 : i32
      %get3A_695 = arith.index_cast %add3A_694 : i32 to index
      %get3A_696 = arith.constant 0 : index
      %get3A_697 = tpu.vector_load %arg8[%get3A_695, %get3A_696] {strides = array<i32>} : memref<192x32xi32, #tpu.memory_space<vmem>>, vector<16xi32>,
      %get3A_698 = arith.index_cast %add3A_694 : i32 to index
      %get3A_699 = arith.constant 16 : index
      %get3A_700 = tpu.vector_load %arg8[%get3A_698, %get3A_699] {strides = array<i32>} : memref<192x32xi32, #tpu.memory_space<vmem>>, vector<16xi32>,
      %shift_left3A_701 = arith.constant 16 : i32
      %shift_left3A_702 = vector.broadcast %shift_left3A_701 : i32 to vector<16xi32>
      %shift_left3A_703 = arith.shli %get3A_697, %shift_left3A_702 : vector<16xi32>
      %bitcast3A_704 = vector.bitcast %shift_left3A_703 : vector<16xi32> to vector<16xf32>
      %add3A_705 = arith.addf %add3A_681, %bitcast3A_704 : vector<16xf32>
      %and3A_706 = arith.andi %get3A_697, %broadcast_in_dim3A_92 : vector<16xi32>
      %bitcast3A_707 = vector.bitcast %and3A_706 : vector<16xi32> to vector<16xf32>
      %add3A_708 = arith.addf %add3A_684, %bitcast3A_707 : vector<16xf32>
      %shift_left3A_709 = arith.constant 16 : i32
      %shift_left3A_710 = vector.broadcast %shift_left3A_709 : i32 to vector<16xi32>
      %shift_left3A_711 = arith.shli %get3A_700, %shift_left3A_710 : vector<16xi32>
      %bitcast3A_712 = vector.bitcast %shift_left3A_711 : vector<16xi32> to vector<16xf32>
      %add3A_713 = arith.addf %add3A_689, %bitcast3A_712 : vector<16xf32>
      %and3A_714 = arith.andi %get3A_700, %broadcast_in_dim3A_92 : vector<16xi32>
      %bitcast3A_715 = vector.bitcast %and3A_714 : vector<16xi32> to vector<16xf32>
      %add3A_716 = arith.addf %add3A_692, %bitcast3A_715 : vector<16xf32>
      %add3A_717 = arith.constant 25 : i32
      %add3A_718 = arith.addi %mul3A_102, %add3A_717 : i32
      %get3A_719 = arith.index_cast %add3A_718 : i32 to index
      %get3A_720 = arith.constant 0 : index
      %get3A_721 = tpu.vector_load %arg8[%get3A_719, %get3A_720] {strides = array<i32>} : memref<192x32xi32, #tpu.memory_space<vmem>>, vector<16xi32>,
      %get3A_722 = arith.index_cast %add3A_718 : i32 to index
      %get3A_723 = arith.constant 16 : index
      %get3A_724 = tpu.vector_load %arg8[%get3A_722, %get3A_723] {strides = array<i32>} : memref<192x32xi32, #tpu.memory_space<vmem>>, vector<16xi32>,
      %shift_left3A_725 = arith.constant 16 : i32
      %shift_left3A_726 = vector.broadcast %shift_left3A_725 : i32 to vector<16xi32>
      %shift_left3A_727 = arith.shli %get3A_721, %shift_left3A_726 : vector<16xi32>
      %bitcast3A_728 = vector.bitcast %shift_left3A_727 : vector<16xi32> to vector<16xf32>
      %add3A_729 = arith.addf %add3A_705, %bitcast3A_728 : vector<16xf32>
      %and3A_730 = arith.andi %get3A_721, %broadcast_in_dim3A_92 : vector<16xi32>
      %bitcast3A_731 = vector.bitcast %and3A_730 : vector<16xi32> to vector<16xf32>
      %add3A_732 = arith.addf %add3A_708, %bitcast3A_731 : vector<16xf32>
      %shift_left3A_733 = arith.constant 16 : i32
      %shift_left3A_734 = vector.broadcast %shift_left3A_733 : i32 to vector<16xi32>
      %shift_left3A_735 = arith.shli %get3A_724, %shift_left3A_734 : vector<16xi32>
      %bitcast3A_736 = vector.bitcast %shift_left3A_735 : vector<16xi32> to vector<16xf32>
      %add3A_737 = arith.addf %add3A_713, %bitcast3A_736 : vector<16xf32>
      %and3A_738 = arith.andi %get3A_724, %broadcast_in_dim3A_92 : vector<16xi32>
      %bitcast3A_739 = vector.bitcast %and3A_738 : vector<16xi32> to vector<16xf32>
      %add3A_740 = arith.addf %add3A_716, %bitcast3A_739 : vector<16xf32>
      %add3A_741 = arith.constant 26 : i32
      %add3A_742 = arith.addi %mul3A_102, %add3A_741 : i32
      %get3A_743 = arith.index_cast %add3A_742 : i32 to index
      %get3A_744 = arith.constant 0 : index
      %get3A_745 = tpu.vector_load %arg8[%get3A_743, %get3A_744] {strides = array<i32>} : memref<192x32xi32, #tpu.memory_space<vmem>>, vector<16xi32>,
      %get3A_746 = arith.index_cast %add3A_742 : i32 to index
      %get3A_747 = arith.constant 16 : index
      %get3A_748 = tpu.vector_load %arg8[%get3A_746, %get3A_747] {strides = array<i32>} : memref<192x32xi32, #tpu.memory_space<vmem>>, vector<16xi32>,
      %shift_left3A_749 = arith.constant 16 : i32
      %shift_left3A_750 = vector.broadcast %shift_left3A_749 : i32 to vector<16xi32>
      %shift_left3A_751 = arith.shli %get3A_745, %shift_left3A_750 : vector<16xi32>
      %bitcast3A_752 = vector.bitcast %shift_left3A_751 : vector<16xi32> to vector<16xf32>
      %add3A_753 = arith.addf %add3A_729, %bitcast3A_752 : vector<16xf32>
      %and3A_754 = arith.andi %get3A_745, %broadcast_in_dim3A_92 : vector<16xi32>
      %bitcast3A_755 = vector.bitcast %and3A_754 : vector<16xi32> to vector<16xf32>
      %add3A_756 = arith.addf %add3A_732, %bitcast3A_755 : vector<16xf32>
      %shift_left3A_757 = arith.constant 16 : i32
      %shift_left3A_758 = vector.broadcast %shift_left3A_757 : i32 to vector<16xi32>
      %shift_left3A_759 = arith.shli %get3A_748, %shift_left3A_758 : vector<16xi32>
      %bitcast3A_760 = vector.bitcast %shift_left3A_759 : vector<16xi32> to vector<16xf32>
      %add3A_761 = arith.addf %add3A_737, %bitcast3A_760 : vector<16xf32>
      %and3A_762 = arith.andi %get3A_748, %broadcast_in_dim3A_92 : vector<16xi32>
      %bitcast3A_763 = vector.bitcast %and3A_762 : vector<16xi32> to vector<16xf32>
      %add3A_764 = arith.addf %add3A_740, %bitcast3A_763 : vector<16xf32>
      %add3A_765 = arith.constant 27 : i32
      %add3A_766 = arith.addi %mul3A_102, %add3A_765 : i32
      %get3A_767 = arith.index_cast %add3A_766 : i32 to index
      %get3A_768 = arith.constant 0 : index
      %get3A_769 = tpu.vector_load %arg8[%get3A_767, %get3A_768] {strides = array<i32>} : memref<192x32xi32, #tpu.memory_space<vmem>>, vector<16xi32>,
      %get3A_770 = arith.index_cast %add3A_766 : i32 to index
      %get3A_771 = arith.constant 16 : index
      %get3A_772 = tpu.vector_load %arg8[%get3A_770, %get3A_771] {strides = array<i32>} : memref<192x32xi32, #tpu.memory_space<vmem>>, vector<16xi32>,
      %shift_left3A_773 = arith.constant 16 : i32
      %shift_left3A_774 = vector.broadcast %shift_left3A_773 : i32 to vector<16xi32>
      %shift_left3A_775 = arith.shli %get3A_769, %shift_left3A_774 : vector<16xi32>
      %bitcast3A_776 = vector.bitcast %shift_left3A_775 : vector<16xi32> to vector<16xf32>
      %add3A_777 = arith.addf %add3A_753, %bitcast3A_776 : vector<16xf32>
      %and3A_778 = arith.andi %get3A_769, %broadcast_in_dim3A_92 : vector<16xi32>
      %bitcast3A_779 = vector.bitcast %and3A_778 : vector<16xi32> to vector<16xf32>
      %add3A_780 = arith.addf %add3A_756, %bitcast3A_779 : vector<16xf32>
      %shift_left3A_781 = arith.constant 16 : i32
      %shift_left3A_782 = vector.broadcast %shift_left3A_781 : i32 to vector<16xi32>
      %shift_left3A_783 = arith.shli %get3A_772, %shift_left3A_782 : vector<16xi32>
      %bitcast3A_784 = vector.bitcast %shift_left3A_783 : vector<16xi32> to vector<16xf32>
      %add3A_785 = arith.addf %add3A_761, %bitcast3A_784 : vector<16xf32>
      %and3A_786 = arith.andi %get3A_772, %broadcast_in_dim3A_92 : vector<16xi32>
      %bitcast3A_787 = vector.bitcast %and3A_786 : vector<16xi32> to vector<16xf32>
      %add3A_788 = arith.addf %add3A_764, %bitcast3A_787 : vector<16xf32>
      %add3A_789 = arith.constant 28 : i32
      %add3A_790 = arith.addi %mul3A_102, %add3A_789 : i32
      %get3A_791 = arith.index_cast %add3A_790 : i32 to index
      %get3A_792 = arith.constant 0 : index
      %get3A_793 = tpu.vector_load %arg8[%get3A_791, %get3A_792] {strides = array<i32>} : memref<192x32xi32, #tpu.memory_space<vmem>>, vector<16xi32>,
      %get3A_794 = arith.index_cast %add3A_790 : i32 to index
      %get3A_795 = arith.constant 16 : index
      %get3A_796 = tpu.vector_load %arg8[%get3A_794, %get3A_795] {strides = array<i32>} : memref<192x32xi32, #tpu.memory_space<vmem>>, vector<16xi32>,
      %shift_left3A_797 = arith.constant 16 : i32
      %shift_left3A_798 = vector.broadcast %shift_left3A_797 : i32 to vector<16xi32>
      %shift_left3A_799 = arith.shli %get3A_793, %shift_left3A_798 : vector<16xi32>
      %bitcast3A_800 = vector.bitcast %shift_left3A_799 : vector<16xi32> to vector<16xf32>
      %add3A_801 = arith.addf %add3A_777, %bitcast3A_800 : vector<16xf32>
      %and3A_802 = arith.andi %get3A_793, %broadcast_in_dim3A_92 : vector<16xi32>
      %bitcast3A_803 = vector.bitcast %and3A_802 : vector<16xi32> to vector<16xf32>
      %add3A_804 = arith.addf %add3A_780, %bitcast3A_803 : vector<16xf32>
      %shift_left3A_805 = arith.constant 16 : i32
      %shift_left3A_806 = vector.broadcast %shift_left3A_805 : i32 to vector<16xi32>
      %shift_left3A_807 = arith.shli %get3A_796, %shift_left3A_806 : vector<16xi32>
      %bitcast3A_808 = vector.bitcast %shift_left3A_807 : vector<16xi32> to vector<16xf32>
      %add3A_809 = arith.addf %add3A_785, %bitcast3A_808 : vector<16xf32>
      %and3A_810 = arith.andi %get3A_796, %broadcast_in_dim3A_92 : vector<16xi32>
      %bitcast3A_811 = vector.bitcast %and3A_810 : vector<16xi32> to vector<16xf32>
      %add3A_812 = arith.addf %add3A_788, %bitcast3A_811 : vector<16xf32>
      %add3A_813 = arith.constant 29 : i32
      %add3A_814 = arith.addi %mul3A_102, %add3A_813 : i32
      %get3A_815 = arith.index_cast %add3A_814 : i32 to index
      %get3A_816 = arith.constant 0 : index
      %get3A_817 = tpu.vector_load %arg8[%get3A_815, %get3A_816] {strides = array<i32>} : memref<192x32xi32, #tpu.memory_space<vmem>>, vector<16xi32>,
      %get3A_818 = arith.index_cast %add3A_814 : i32 to index
      %get3A_819 = arith.constant 16 : index
      %get3A_820 = tpu.vector_load %arg8[%get3A_818, %get3A_819] {strides = array<i32>} : memref<192x32xi32, #tpu.memory_space<vmem>>, vector<16xi32>,
      %shift_left3A_821 = arith.constant 16 : i32
      %shift_left3A_822 = vector.broadcast %shift_left3A_821 : i32 to vector<16xi32>
      %shift_left3A_823 = arith.shli %get3A_817, %shift_left3A_822 : vector<16xi32>
      %bitcast3A_824 = vector.bitcast %shift_left3A_823 : vector<16xi32> to vector<16xf32>
      %add3A_825 = arith.addf %add3A_801, %bitcast3A_824 : vector<16xf32>
      %and3A_826 = arith.andi %get3A_817, %broadcast_in_dim3A_92 : vector<16xi32>
      %bitcast3A_827 = vector.bitcast %and3A_826 : vector<16xi32> to vector<16xf32>
      %add3A_828 = arith.addf %add3A_804, %bitcast3A_827 : vector<16xf32>
      %shift_left3A_829 = arith.constant 16 : i32
      %shift_left3A_830 = vector.broadcast %shift_left3A_829 : i32 to vector<16xi32>
      %shift_left3A_831 = arith.shli %get3A_820, %shift_left3A_830 : vector<16xi32>
      %bitcast3A_832 = vector.bitcast %shift_left3A_831 : vector<16xi32> to vector<16xf32>
      %add3A_833 = arith.addf %add3A_809, %bitcast3A_832 : vector<16xf32>
      %and3A_834 = arith.andi %get3A_820, %broadcast_in_dim3A_92 : vector<16xi32>
      %bitcast3A_835 = vector.bitcast %and3A_834 : vector<16xi32> to vector<16xf32>
      %add3A_836 = arith.addf %add3A_812, %bitcast3A_835 : vector<16xf32>
      %add3A_837 = arith.constant 30 : i32
      %add3A_838 = arith.addi %mul3A_102, %add3A_837 : i32
      %get3A_839 = arith.index_cast %add3A_838 : i32 to index
      %get3A_840 = arith.constant 0 : index
      %get3A_841 = tpu.vector_load %arg8[%get3A_839, %get3A_840] {strides = array<i32>} : memref<192x32xi32, #tpu.memory_space<vmem>>, vector<16xi32>,
      %get3A_842 = arith.index_cast %add3A_838 : i32 to index
      %get3A_843 = arith.constant 16 : index
      %get3A_844 = tpu.vector_load %arg8[%get3A_842, %get3A_843] {strides = array<i32>} : memref<192x32xi32, #tpu.memory_space<vmem>>, vector<16xi32>,
      %shift_left3A_845 = arith.constant 16 : i32
      %shift_left3A_846 = vector.broadcast %shift_left3A_845 : i32 to vector<16xi32>
      %shift_left3A_847 = arith.shli %get3A_841, %shift_left3A_846 : vector<16xi32>
      %bitcast3A_848 = vector.bitcast %shift_left3A_847 : vector<16xi32> to vector<16xf32>
      %add3A_849 = arith.addf %add3A_825, %bitcast3A_848 : vector<16xf32>
      %and3A_850 = arith.andi %get3A_841, %broadcast_in_dim3A_92 : vector<16xi32>
      %bitcast3A_851 = vector.bitcast %and3A_850 : vector<16xi32> to vector<16xf32>
      %add3A_852 = arith.addf %add3A_828, %bitcast3A_851 : vector<16xf32>
      %shift_left3A_853 = arith.constant 16 : i32
      %shift_left3A_854 = vector.broadcast %shift_left3A_853 : i32 to vector<16xi32>
      %shift_left3A_855 = arith.shli %get3A_844, %shift_left3A_854 : vector<16xi32>
      %bitcast3A_856 = vector.bitcast %shift_left3A_855 : vector<16xi32> to vector<16xf32>
      %add3A_857 = arith.addf %add3A_833, %bitcast3A_856 : vector<16xf32>
      %and3A_858 = arith.andi %get3A_844, %broadcast_in_dim3A_92 : vector<16xi32>
      %bitcast3A_859 = vector.bitcast %and3A_858 : vector<16xi32> to vector<16xf32>
      %add3A_860 = arith.addf %add3A_836, %bitcast3A_859 : vector<16xf32>
      %add3A_861 = arith.constant 31 : i32
      %add3A_862 = arith.addi %mul3A_102, %add3A_861 : i32
      %get3A_863 = arith.index_cast %add3A_862 : i32 to index
      %get3A_864 = arith.constant 0 : index
      %get3A_865 = tpu.vector_load %arg8[%get3A_863, %get3A_864] {strides = array<i32>} : memref<192x32xi32, #tpu.memory_space<vmem>>, vector<16xi32>,
      %get3A_866 = arith.index_cast %add3A_862 : i32 to index
      %get3A_867 = arith.constant 16 : index
      %get3A_868 = tpu.vector_load %arg8[%get3A_866, %get3A_867] {strides = array<i32>} : memref<192x32xi32, #tpu.memory_space<vmem>>, vector<16xi32>,
      %shift_left3A_869 = arith.constant 16 : i32
      %shift_left3A_870 = vector.broadcast %shift_left3A_869 : i32 to vector<16xi32>
      %shift_left3A_871 = arith.shli %get3A_865, %shift_left3A_870 : vector<16xi32>
      %bitcast3A_872 = vector.bitcast %shift_left3A_871 : vector<16xi32> to vector<16xf32>
      %add3A_873 = arith.addf %add3A_849, %bitcast3A_872 : vector<16xf32>
      %and3A_874 = arith.andi %get3A_865, %broadcast_in_dim3A_92 : vector<16xi32>
      %bitcast3A_875 = vector.bitcast %and3A_874 : vector<16xi32> to vector<16xf32>
      %add3A_876 = arith.addf %add3A_852, %bitcast3A_875 : vector<16xf32>
      %shift_left3A_877 = arith.constant 16 : i32
      %shift_left3A_878 = vector.broadcast %shift_left3A_877 : i32 to vector<16xi32>
      %shift_left3A_879 = arith.shli %get3A_868, %shift_left3A_878 : vector<16xi32>
      %bitcast3A_880 = vector.bitcast %shift_left3A_879 : vector<16xi32> to vector<16xf32>
      %add3A_881 = arith.addf %add3A_857, %bitcast3A_880 : vector<16xf32>
      %and3A_882 = arith.andi %get3A_868, %broadcast_in_dim3A_92 : vector<16xi32>
      %bitcast3A_883 = vector.bitcast %and3A_882 : vector<16xi32> to vector<16xf32>
      %add3A_884 = arith.addf %add3A_860, %bitcast3A_883 : vector<16xf32>
      %swap3A = arith.index_cast %scan3A_98 : i32 to index
      %swap3A_885 = arith.constant 0 : index
      %swap3A_886 = tpu.vector_load %arg9[%swap3A, %swap3A_885] {strides = array<i32>} : memref<128x64xf32, #tpu.memory_space<vmem>>, vector<16xf32>,
      tpu.vector_store %arg9[%swap3A, %swap3A_885], %add3A_873 {strides = array<i32>} : memref<128x64xf32, #tpu.memory_space<vmem>>, vector<16xf32>,
      %swap3A_887 = arith.index_cast %scan3A_98 : i32 to index
      %swap3A_888 = arith.constant 16 : index
      %swap3A_889 = tpu.vector_load %arg9[%swap3A_887, %swap3A_888] {strides = array<i32>} : memref<128x64xf32, #tpu.memory_space<vmem>>, vector<16xf32>,
      tpu.vector_store %arg9[%swap3A_887, %swap3A_888], %add3A_876 {strides = array<i32>} : memref<128x64xf32, #tpu.memory_space<vmem>>, vector<16xf32>,
      %swap3A_890 = arith.index_cast %scan3A_98 : i32 to index
      %swap3A_891 = arith.constant 32 : index
      %swap3A_892 = tpu.vector_load %arg9[%swap3A_890, %swap3A_891] {strides = array<i32>} : memref<128x64xf32, #tpu.memory_space<vmem>>, vector<16xf32>,
      tpu.vector_store %arg9[%swap3A_890, %swap3A_891], %add3A_881 {strides = array<i32>} : memref<128x64xf32, #tpu.memory_space<vmem>>, vector<16xf32>,
      %swap3A_893 = arith.index_cast %scan3A_98 : i32 to index
      %swap3A_894 = arith.constant 48 : index
      %swap3A_895 = tpu.vector_load %arg9[%swap3A_893, %swap3A_894] {strides = array<i32>} : memref<128x64xf32, #tpu.memory_space<vmem>>, vector<16xf32>,
      tpu.vector_store %arg9[%swap3A_893, %swap3A_894], %add3A_884 {strides = array<i32>} : memref<128x64xf32, #tpu.memory_space<vmem>>, vector<16xf32>,
      %add3A_896 = arith.constant 6 : i32
      %add3A_897 = arith.addi %scan3A_98, %add3A_896 : i32
      %lt3A = arith.constant 128 : i32
      %lt3A_898 = arith.cmpi slt, %add3A_897, %lt3A : i32
      %convert_element_type3A_899 = arith.extui %lt3A_898 : i1 to i32
      %cond3A_900 = arith.constant 0 : i32
      %cond3A_901 = arith.cmpi ne, %convert_element_type3A_899, %cond3A_900 : i32
      scf.if %cond3A_901 {
        %add3A_1713 = arith.constant 6 : i32
        %add3A_1714 = arith.addi %scan3A_98, %add3A_1713 : i32
        %rem3A_1715 = arith.constant 6 : i32
        %rem3A_1716 = arith.remsi %add3A_1714, %rem3A_1715 : i32
        %mul3A_1717 = arith.constant 32 : i32
        %mul3A_1718 = arith.muli %rem3A_1716, %mul3A_1717 : i32
        %dma_start3A_1719 = arith.constant 0 : i32
        %dma_start3A_1720 = tpu.memref_slice %arg8[%mul3A_1718, %dma_start3A_1719] : memref<192x32xi32, #tpu.memory_space<vmem>> -> memref<32x32xi32, #tpu.memory_space<vmem>>
        %dma_start3A_1721 = arith.constant 0 : i32
        %dma_start3A_1722 = tpu.memref_slice %arg7[%add3A_1714, %dma_start3A_1721] : memref<128x32xi32, #tpu.memory_space<vmem>> -> memref<1x32xi32, #tpu.memory_space<vmem>>
        %dma_start3A_1723 = tpu.memref_squeeze %dma_start3A_1722 : memref<1x32xi32, #tpu.memory_space<vmem>> -> memref<32xi32, #tpu.memory_space<vmem>>
        %dma_start3A_1724 = arith.constant 0 : i32
        %dma_start3A_1725 = arith.constant 0 : i32
        %dma_start3A_1726 = tpu.memref_slice %arg10[%dma_start3A_1724, %dma_start3A_1725] : memref<1872x32xi32, #tpu.memory_space<vmem_shared>> -> memref<1872x32xi32, #tpu.memory_space<vmem_shared>>
        tpu.enqueue_indirect_dma source(%dma_start3A_1726 : memref<1872x32xi32, #tpu.memory_space<vmem_shared>>) target(%dma_start3A_1720 : memref<32x32xi32, #tpu.memory_space<vmem>>) offsets(%dma_start3A_1723 : memref<32xi32, #tpu.memory_space<vmem>>) semaphore(%arg12 : memref<!tpu.dma_semaphore, #tpu.memory_space<semaphore_mem>>)
      } else {
      }
      %scan3A_902 = arith.constant 1 : i32
      %scan3A_903 = arith.addi %scan3A_98, %scan3A_902 : i32
      %rem3A_904 = arith.constant 6 : i32
      %rem3A_905 = arith.remsi %scan3A_903, %rem3A_904 : i32
      %mul3A_906 = arith.constant 32 : i32
      %mul3A_907 = arith.muli %rem3A_905, %mul3A_906 : i32
      %dma_wait3A_908 = arith.constant 0 : i32
      %dma_wait3A_909 = tpu.memref_slice %arg8[%mul3A_907, %dma_wait3A_908] : memref<192x32xi32, #tpu.memory_space<vmem>> -> memref<32x32xi32, #tpu.memory_space<vmem>>
      %dma_wait3A_910 = arith.constant 0 : i32
      %dma_wait3A_911 = arith.constant 0 : i32
      %dma_wait3A_912 = tpu.memref_slice %arg4[%dma_wait3A_910, %dma_wait3A_911] : memref<1872x32xi32, #tpu.memory_space<hbm>> -> memref<32x32xi32, #tpu.memory_space<hbm>>
      %dma_wait3A_913 = arith.constant 0 : i32
      %dma_wait3A_914 = tpu.memref_slice %arg8[%mul3A_907, %dma_wait3A_913] : memref<192x32xi32, #tpu.memory_space<vmem>> -> memref<32x32xi32, #tpu.memory_space<vmem>>
      %dma_wait3A_915 = arith.constant 0 : i32
      %dma_wait3A_916 = arith.constant 0 : i32
      %dma_wait3A_917 = tpu.memref_slice %arg4[%dma_wait3A_915, %dma_wait3A_916] : memref<1872x32xi32, #tpu.memory_space<hbm>> -> memref<32x32xi32, #tpu.memory_space<hbm>>
      tpu.wait_dma2 semaphore(%arg12 : memref<!tpu.dma_semaphore, #tpu.memory_space<semaphore_mem>>) src(%dma_wait3A_917 : memref<32x32xi32, #tpu.memory_space<hbm>>) dst(%dma_wait3A_914 : memref<32x32xi32, #tpu.memory_space<vmem>>)
      %broadcast_in_dim3A_918 = arith.constant 0.000000e+00 : f32
      %broadcast_in_dim3A_919 = vector.broadcast %broadcast_in_dim3A_918 : f32 to vector<16xf32>
      %broadcast_in_dim3A_920 = arith.constant 0.000000e+00 : f32
      %broadcast_in_dim3A_921 = vector.broadcast %broadcast_in_dim3A_920 : f32 to vector<16xf32>
      %broadcast_in_dim3A_922 = arith.constant 0.000000e+00 : f32
      %broadcast_in_dim3A_923 = vector.broadcast %broadcast_in_dim3A_922 : f32 to vector<16xf32>
      %broadcast_in_dim3A_924 = arith.constant 0.000000e+00 : f32
      %broadcast_in_dim3A_925 = vector.broadcast %broadcast_in_dim3A_924 : f32 to vector<16xf32>
      %add3A_926 = arith.constant 0 : i32
      %add3A_927 = arith.addi %mul3A_907, %add3A_926 : i32
      %get3A_928 = arith.index_cast %add3A_927 : i32 to index
      %get3A_929 = arith.constant 0 : index
      %get3A_930 = tpu.vector_load %arg8[%get3A_928, %get3A_929] {strides = array<i32>} : memref<192x32xi32, #tpu.memory_space<vmem>>, vector<16xi32>,
      %get3A_931 = arith.index_cast %add3A_927 : i32 to index
      %get3A_932 = arith.constant 16 : index
      %get3A_933 = tpu.vector_load %arg8[%get3A_931, %get3A_932] {strides = array<i32>} : memref<192x32xi32, #tpu.memory_space<vmem>>, vector<16xi32>,
      %shift_left3A_934 = arith.constant 16 : i32
      %shift_left3A_935 = vector.broadcast %shift_left3A_934 : i32 to vector<16xi32>
      %shift_left3A_936 = arith.shli %get3A_930, %shift_left3A_935 : vector<16xi32>
      %bitcast3A_937 = vector.bitcast %shift_left3A_936 : vector<16xi32> to vector<16xf32>
      %add3A_938 = arith.addf %broadcast_in_dim3A_919, %bitcast3A_937 : vector<16xf32>
      %and3A_939 = arith.andi %get3A_930, %broadcast_in_dim3A_92 : vector<16xi32>
      %bitcast3A_940 = vector.bitcast %and3A_939 : vector<16xi32> to vector<16xf32>
      %add3A_941 = arith.addf %broadcast_in_dim3A_921, %bitcast3A_940 : vector<16xf32>
      %shift_left3A_942 = arith.constant 16 : i32
      %shift_left3A_943 = vector.broadcast %shift_left3A_942 : i32 to vector<16xi32>
      %shift_left3A_944 = arith.shli %get3A_933, %shift_left3A_943 : vector<16xi32>
      %bitcast3A_945 = vector.bitcast %shift_left3A_944 : vector<16xi32> to vector<16xf32>
      %add3A_946 = arith.addf %broadcast_in_dim3A_923, %bitcast3A_945 : vector<16xf32>
      %and3A_947 = arith.andi %get3A_933, %broadcast_in_dim3A_92 : vector<16xi32>
      %bitcast3A_948 = vector.bitcast %and3A_947 : vector<16xi32> to vector<16xf32>
      %add3A_949 = arith.addf %broadcast_in_dim3A_925, %bitcast3A_948 : vector<16xf32>
      %add3A_950 = arith.constant 1 : i32
      %add3A_951 = arith.addi %mul3A_907, %add3A_950 : i32
      %get3A_952 = arith.index_cast %add3A_951 : i32 to index
      %get3A_953 = arith.constant 0 : index
      %get3A_954 = tpu.vector_load %arg8[%get3A_952, %get3A_953] {strides = array<i32>} : memref<192x32xi32, #tpu.memory_space<vmem>>, vector<16xi32>,
      %get3A_955 = arith.index_cast %add3A_951 : i32 to index
      %get3A_956 = arith.constant 16 : index
      %get3A_957 = tpu.vector_load %arg8[%get3A_955, %get3A_956] {strides = array<i32>} : memref<192x32xi32, #tpu.memory_space<vmem>>, vector<16xi32>,
      %shift_left3A_958 = arith.constant 16 : i32
      %shift_left3A_959 = vector.broadcast %shift_left3A_958 : i32 to vector<16xi32>
      %shift_left3A_960 = arith.shli %get3A_954, %shift_left3A_959 : vector<16xi32>
      %bitcast3A_961 = vector.bitcast %shift_left3A_960 : vector<16xi32> to vector<16xf32>
      %add3A_962 = arith.addf %add3A_938, %bitcast3A_961 : vector<16xf32>
      %and3A_963 = arith.andi %get3A_954, %broadcast_in_dim3A_92 : vector<16xi32>
      %bitcast3A_964 = vector.bitcast %and3A_963 : vector<16xi32> to vector<16xf32>
      %add3A_965 = arith.addf %add3A_941, %bitcast3A_964 : vector<16xf32>
      %shift_left3A_966 = arith.constant 16 : i32
      %shift_left3A_967 = vector.broadcast %shift_left3A_966 : i32 to vector<16xi32>
      %shift_left3A_968 = arith.shli %get3A_957, %shift_left3A_967 : vector<16xi32>
      %bitcast3A_969 = vector.bitcast %shift_left3A_968 : vector<16xi32> to vector<16xf32>
      %add3A_970 = arith.addf %add3A_946, %bitcast3A_969 : vector<16xf32>
      %and3A_971 = arith.andi %get3A_957, %broadcast_in_dim3A_92 : vector<16xi32>
      %bitcast3A_972 = vector.bitcast %and3A_971 : vector<16xi32> to vector<16xf32>
      %add3A_973 = arith.addf %add3A_949, %bitcast3A_972 : vector<16xf32>
      %add3A_974 = arith.constant 2 : i32
      %add3A_975 = arith.addi %mul3A_907, %add3A_974 : i32
      %get3A_976 = arith.index_cast %add3A_975 : i32 to index
      %get3A_977 = arith.constant 0 : index
      %get3A_978 = tpu.vector_load %arg8[%get3A_976, %get3A_977] {strides = array<i32>} : memref<192x32xi32, #tpu.memory_space<vmem>>, vector<16xi32>,
      %get3A_979 = arith.index_cast %add3A_975 : i32 to index
      %get3A_980 = arith.constant 16 : index
      %get3A_981 = tpu.vector_load %arg8[%get3A_979, %get3A_980] {strides = array<i32>} : memref<192x32xi32, #tpu.memory_space<vmem>>, vector<16xi32>,
      %shift_left3A_982 = arith.constant 16 : i32
      %shift_left3A_983 = vector.broadcast %shift_left3A_982 : i32 to vector<16xi32>
      %shift_left3A_984 = arith.shli %get3A_978, %shift_left3A_983 : vector<16xi32>
      %bitcast3A_985 = vector.bitcast %shift_left3A_984 : vector<16xi32> to vector<16xf32>
      %add3A_986 = arith.addf %add3A_962, %bitcast3A_985 : vector<16xf32>
      %and3A_987 = arith.andi %get3A_978, %broadcast_in_dim3A_92 : vector<16xi32>
      %bitcast3A_988 = vector.bitcast %and3A_987 : vector<16xi32> to vector<16xf32>
      %add3A_989 = arith.addf %add3A_965, %bitcast3A_988 : vector<16xf32>
      %shift_left3A_990 = arith.constant 16 : i32
      %shift_left3A_991 = vector.broadcast %shift_left3A_990 : i32 to vector<16xi32>
      %shift_left3A_992 = arith.shli %get3A_981, %shift_left3A_991 : vector<16xi32>
      %bitcast3A_993 = vector.bitcast %shift_left3A_992 : vector<16xi32> to vector<16xf32>
      %add3A_994 = arith.addf %add3A_970, %bitcast3A_993 : vector<16xf32>
      %and3A_995 = arith.andi %get3A_981, %broadcast_in_dim3A_92 : vector<16xi32>
      %bitcast3A_996 = vector.bitcast %and3A_995 : vector<16xi32> to vector<16xf32>
      %add3A_997 = arith.addf %add3A_973, %bitcast3A_996 : vector<16xf32>
      %add3A_998 = arith.constant 3 : i32
      %add3A_999 = arith.addi %mul3A_907, %add3A_998 : i32
      %get3A_1000 = arith.index_cast %add3A_999 : i32 to index
      %get3A_1001 = arith.constant 0 : index
      %get3A_1002 = tpu.vector_load %arg8[%get3A_1000, %get3A_1001] {strides = array<i32>} : memref<192x32xi32, #tpu.memory_space<vmem>>, vector<16xi32>,
      %get3A_1003 = arith.index_cast %add3A_999 : i32 to index
      %get3A_1004 = arith.constant 16 : index
      %get3A_1005 = tpu.vector_load %arg8[%get3A_1003, %get3A_1004] {strides = array<i32>} : memref<192x32xi32, #tpu.memory_space<vmem>>, vector<16xi32>,
      %shift_left3A_1006 = arith.constant 16 : i32
      %shift_left3A_1007 = vector.broadcast %shift_left3A_1006 : i32 to vector<16xi32>
      %shift_left3A_1008 = arith.shli %get3A_1002, %shift_left3A_1007 : vector<16xi32>
      %bitcast3A_1009 = vector.bitcast %shift_left3A_1008 : vector<16xi32> to vector<16xf32>
      %add3A_1010 = arith.addf %add3A_986, %bitcast3A_1009 : vector<16xf32>
      %and3A_1011 = arith.andi %get3A_1002, %broadcast_in_dim3A_92 : vector<16xi32>
      %bitcast3A_1012 = vector.bitcast %and3A_1011 : vector<16xi32> to vector<16xf32>
      %add3A_1013 = arith.addf %add3A_989, %bitcast3A_1012 : vector<16xf32>
      %shift_left3A_1014 = arith.constant 16 : i32
      %shift_left3A_1015 = vector.broadcast %shift_left3A_1014 : i32 to vector<16xi32>
      %shift_left3A_1016 = arith.shli %get3A_1005, %shift_left3A_1015 : vector<16xi32>
      %bitcast3A_1017 = vector.bitcast %shift_left3A_1016 : vector<16xi32> to vector<16xf32>
      %add3A_1018 = arith.addf %add3A_994, %bitcast3A_1017 : vector<16xf32>
      %and3A_1019 = arith.andi %get3A_1005, %broadcast_in_dim3A_92 : vector<16xi32>
      %bitcast3A_1020 = vector.bitcast %and3A_1019 : vector<16xi32> to vector<16xf32>
      %add3A_1021 = arith.addf %add3A_997, %bitcast3A_1020 : vector<16xf32>
      %add3A_1022 = arith.constant 4 : i32
      %add3A_1023 = arith.addi %mul3A_907, %add3A_1022 : i32
      %get3A_1024 = arith.index_cast %add3A_1023 : i32 to index
      %get3A_1025 = arith.constant 0 : index
      %get3A_1026 = tpu.vector_load %arg8[%get3A_1024, %get3A_1025] {strides = array<i32>} : memref<192x32xi32, #tpu.memory_space<vmem>>, vector<16xi32>,
      %get3A_1027 = arith.index_cast %add3A_1023 : i32 to index
      %get3A_1028 = arith.constant 16 : index
      %get3A_1029 = tpu.vector_load %arg8[%get3A_1027, %get3A_1028] {strides = array<i32>} : memref<192x32xi32, #tpu.memory_space<vmem>>, vector<16xi32>,
      %shift_left3A_1030 = arith.constant 16 : i32
      %shift_left3A_1031 = vector.broadcast %shift_left3A_1030 : i32 to vector<16xi32>
      %shift_left3A_1032 = arith.shli %get3A_1026, %shift_left3A_1031 : vector<16xi32>
      %bitcast3A_1033 = vector.bitcast %shift_left3A_1032 : vector<16xi32> to vector<16xf32>
      %add3A_1034 = arith.addf %add3A_1010, %bitcast3A_1033 : vector<16xf32>
      %and3A_1035 = arith.andi %get3A_1026, %broadcast_in_dim3A_92 : vector<16xi32>
      %bitcast3A_1036 = vector.bitcast %and3A_1035 : vector<16xi32> to vector<16xf32>
      %add3A_1037 = arith.addf %add3A_1013, %bitcast3A_1036 : vector<16xf32>
      %shift_left3A_1038 = arith.constant 16 : i32
      %shift_left3A_1039 = vector.broadcast %shift_left3A_1038 : i32 to vector<16xi32>
      %shift_left3A_1040 = arith.shli %get3A_1029, %shift_left3A_1039 : vector<16xi32>
      %bitcast3A_1041 = vector.bitcast %shift_left3A_1040 : vector<16xi32> to vector<16xf32>
      %add3A_1042 = arith.addf %add3A_1018, %bitcast3A_1041 : vector<16xf32>
      %and3A_1043 = arith.andi %get3A_1029, %broadcast_in_dim3A_92 : vector<16xi32>
      %bitcast3A_1044 = vector.bitcast %and3A_1043 : vector<16xi32> to vector<16xf32>
      %add3A_1045 = arith.addf %add3A_1021, %bitcast3A_1044 : vector<16xf32>
      %add3A_1046 = arith.constant 5 : i32
      %add3A_1047 = arith.addi %mul3A_907, %add3A_1046 : i32
      %get3A_1048 = arith.index_cast %add3A_1047 : i32 to index
      %get3A_1049 = arith.constant 0 : index
      %get3A_1050 = tpu.vector_load %arg8[%get3A_1048, %get3A_1049] {strides = array<i32>} : memref<192x32xi32, #tpu.memory_space<vmem>>, vector<16xi32>,
      %get3A_1051 = arith.index_cast %add3A_1047 : i32 to index
      %get3A_1052 = arith.constant 16 : index
      %get3A_1053 = tpu.vector_load %arg8[%get3A_1051, %get3A_1052] {strides = array<i32>} : memref<192x32xi32, #tpu.memory_space<vmem>>, vector<16xi32>,
      %shift_left3A_1054 = arith.constant 16 : i32
      %shift_left3A_1055 = vector.broadcast %shift_left3A_1054 : i32 to vector<16xi32>
      %shift_left3A_1056 = arith.shli %get3A_1050, %shift_left3A_1055 : vector<16xi32>
      %bitcast3A_1057 = vector.bitcast %shift_left3A_1056 : vector<16xi32> to vector<16xf32>
      %add3A_1058 = arith.addf %add3A_1034, %bitcast3A_1057 : vector<16xf32>
      %and3A_1059 = arith.andi %get3A_1050, %broadcast_in_dim3A_92 : vector<16xi32>
      %bitcast3A_1060 = vector.bitcast %and3A_1059 : vector<16xi32> to vector<16xf32>
      %add3A_1061 = arith.addf %add3A_1037, %bitcast3A_1060 : vector<16xf32>
      %shift_left3A_1062 = arith.constant 16 : i32
      %shift_left3A_1063 = vector.broadcast %shift_left3A_1062 : i32 to vector<16xi32>
      %shift_left3A_1064 = arith.shli %get3A_1053, %shift_left3A_1063 : vector<16xi32>
      %bitcast3A_1065 = vector.bitcast %shift_left3A_1064 : vector<16xi32> to vector<16xf32>
      %add3A_1066 = arith.addf %add3A_1042, %bitcast3A_1065 : vector<16xf32>
      %and3A_1067 = arith.andi %get3A_1053, %broadcast_in_dim3A_92 : vector<16xi32>
      %bitcast3A_1068 = vector.bitcast %and3A_1067 : vector<16xi32> to vector<16xf32>
      %add3A_1069 = arith.addf %add3A_1045, %bitcast3A_1068 : vector<16xf32>
      %add3A_1070 = arith.constant 6 : i32
      %add3A_1071 = arith.addi %mul3A_907, %add3A_1070 : i32
      %get3A_1072 = arith.index_cast %add3A_1071 : i32 to index
      %get3A_1073 = arith.constant 0 : index
      %get3A_1074 = tpu.vector_load %arg8[%get3A_1072, %get3A_1073] {strides = array<i32>} : memref<192x32xi32, #tpu.memory_space<vmem>>, vector<16xi32>,
      %get3A_1075 = arith.index_cast %add3A_1071 : i32 to index
      %get3A_1076 = arith.constant 16 : index
      %get3A_1077 = tpu.vector_load %arg8[%get3A_1075, %get3A_1076] {strides = array<i32>} : memref<192x32xi32, #tpu.memory_space<vmem>>, vector<16xi32>,
      %shift_left3A_1078 = arith.constant 16 : i32
      %shift_left3A_1079 = vector.broadcast %shift_left3A_1078 : i32 to vector<16xi32>
      %shift_left3A_1080 = arith.shli %get3A_1074, %shift_left3A_1079 : vector<16xi32>
      %bitcast3A_1081 = vector.bitcast %shift_left3A_1080 : vector<16xi32> to vector<16xf32>
      %add3A_1082 = arith.addf %add3A_1058, %bitcast3A_1081 : vector<16xf32>
      %and3A_1083 = arith.andi %get3A_1074, %broadcast_in_dim3A_92 : vector<16xi32>
      %bitcast3A_1084 = vector.bitcast %and3A_1083 : vector<16xi32> to vector<16xf32>
      %add3A_1085 = arith.addf %add3A_1061, %bitcast3A_1084 : vector<16xf32>
      %shift_left3A_1086 = arith.constant 16 : i32
      %shift_left3A_1087 = vector.broadcast %shift_left3A_1086 : i32 to vector<16xi32>
      %shift_left3A_1088 = arith.shli %get3A_1077, %shift_left3A_1087 : vector<16xi32>
      %bitcast3A_1089 = vector.bitcast %shift_left3A_1088 : vector<16xi32> to vector<16xf32>
      %add3A_1090 = arith.addf %add3A_1066, %bitcast3A_1089 : vector<16xf32>
      %and3A_1091 = arith.andi %get3A_1077, %broadcast_in_dim3A_92 : vector<16xi32>
      %bitcast3A_1092 = vector.bitcast %and3A_1091 : vector<16xi32> to vector<16xf32>
      %add3A_1093 = arith.addf %add3A_1069, %bitcast3A_1092 : vector<16xf32>
      %add3A_1094 = arith.constant 7 : i32
      %add3A_1095 = arith.addi %mul3A_907, %add3A_1094 : i32
      %get3A_1096 = arith.index_cast %add3A_1095 : i32 to index
      %get3A_1097 = arith.constant 0 : index
      %get3A_1098 = tpu.vector_load %arg8[%get3A_1096, %get3A_1097] {strides = array<i32>} : memref<192x32xi32, #tpu.memory_space<vmem>>, vector<16xi32>,
      %get3A_1099 = arith.index_cast %add3A_1095 : i32 to index
      %get3A_1100 = arith.constant 16 : index
      %get3A_1101 = tpu.vector_load %arg8[%get3A_1099, %get3A_1100] {strides = array<i32>} : memref<192x32xi32, #tpu.memory_space<vmem>>, vector<16xi32>,
      %shift_left3A_1102 = arith.constant 16 : i32
      %shift_left3A_1103 = vector.broadcast %shift_left3A_1102 : i32 to vector<16xi32>
      %shift_left3A_1104 = arith.shli %get3A_1098, %shift_left3A_1103 : vector<16xi32>
      %bitcast3A_1105 = vector.bitcast %shift_left3A_1104 : vector<16xi32> to vector<16xf32>
      %add3A_1106 = arith.addf %add3A_1082, %bitcast3A_1105 : vector<16xf32>
      %and3A_1107 = arith.andi %get3A_1098, %broadcast_in_dim3A_92 : vector<16xi32>
      %bitcast3A_1108 = vector.bitcast %and3A_1107 : vector<16xi32> to vector<16xf32>
      %add3A_1109 = arith.addf %add3A_1085, %bitcast3A_1108 : vector<16xf32>
      %shift_left3A_1110 = arith.constant 16 : i32
      %shift_left3A_1111 = vector.broadcast %shift_left3A_1110 : i32 to vector<16xi32>
      %shift_left3A_1112 = arith.shli %get3A_1101, %shift_left3A_1111 : vector<16xi32>
      %bitcast3A_1113 = vector.bitcast %shift_left3A_1112 : vector<16xi32> to vector<16xf32>
      %add3A_1114 = arith.addf %add3A_1090, %bitcast3A_1113 : vector<16xf32>
      %and3A_1115 = arith.andi %get3A_1101, %broadcast_in_dim3A_92 : vector<16xi32>
      %bitcast3A_1116 = vector.bitcast %and3A_1115 : vector<16xi32> to vector<16xf32>
      %add3A_1117 = arith.addf %add3A_1093, %bitcast3A_1116 : vector<16xf32>
      %add3A_1118 = arith.constant 8 : i32
      %add3A_1119 = arith.addi %mul3A_907, %add3A_1118 : i32
      %get3A_1120 = arith.index_cast %add3A_1119 : i32 to index
      %get3A_1121 = arith.constant 0 : index
      %get3A_1122 = tpu.vector_load %arg8[%get3A_1120, %get3A_1121] {strides = array<i32>} : memref<192x32xi32, #tpu.memory_space<vmem>>, vector<16xi32>,
      %get3A_1123 = arith.index_cast %add3A_1119 : i32 to index
      %get3A_1124 = arith.constant 16 : index
      %get3A_1125 = tpu.vector_load %arg8[%get3A_1123, %get3A_1124] {strides = array<i32>} : memref<192x32xi32, #tpu.memory_space<vmem>>, vector<16xi32>,
      %shift_left3A_1126 = arith.constant 16 : i32
      %shift_left3A_1127 = vector.broadcast %shift_left3A_1126 : i32 to vector<16xi32>
      %shift_left3A_1128 = arith.shli %get3A_1122, %shift_left3A_1127 : vector<16xi32>
      %bitcast3A_1129 = vector.bitcast %shift_left3A_1128 : vector<16xi32> to vector<16xf32>
      %add3A_1130 = arith.addf %add3A_1106, %bitcast3A_1129 : vector<16xf32>
      %and3A_1131 = arith.andi %get3A_1122, %broadcast_in_dim3A_92 : vector<16xi32>
      %bitcast3A_1132 = vector.bitcast %and3A_1131 : vector<16xi32> to vector<16xf32>
      %add3A_1133 = arith.addf %add3A_1109, %bitcast3A_1132 : vector<16xf32>
      %shift_left3A_1134 = arith.constant 16 : i32
      %shift_left3A_1135 = vector.broadcast %shift_left3A_1134 : i32 to vector<16xi32>
      %shift_left3A_1136 = arith.shli %get3A_1125, %shift_left3A_1135 : vector<16xi32>
      %bitcast3A_1137 = vector.bitcast %shift_left3A_1136 : vector<16xi32> to vector<16xf32>
      %add3A_1138 = arith.addf %add3A_1114, %bitcast3A_1137 : vector<16xf32>
      %and3A_1139 = arith.andi %get3A_1125, %broadcast_in_dim3A_92 : vector<16xi32>
      %bitcast3A_1140 = vector.bitcast %and3A_1139 : vector<16xi32> to vector<16xf32>
      %add3A_1141 = arith.addf %add3A_1117, %bitcast3A_1140 : vector<16xf32>
      %add3A_1142 = arith.constant 9 : i32
      %add3A_1143 = arith.addi %mul3A_907, %add3A_1142 : i32
      %get3A_1144 = arith.index_cast %add3A_1143 : i32 to index
      %get3A_1145 = arith.constant 0 : index
      %get3A_1146 = tpu.vector_load %arg8[%get3A_1144, %get3A_1145] {strides = array<i32>} : memref<192x32xi32, #tpu.memory_space<vmem>>, vector<16xi32>,
      %get3A_1147 = arith.index_cast %add3A_1143 : i32 to index
      %get3A_1148 = arith.constant 16 : index
      %get3A_1149 = tpu.vector_load %arg8[%get3A_1147, %get3A_1148] {strides = array<i32>} : memref<192x32xi32, #tpu.memory_space<vmem>>, vector<16xi32>,
      %shift_left3A_1150 = arith.constant 16 : i32
      %shift_left3A_1151 = vector.broadcast %shift_left3A_1150 : i32 to vector<16xi32>
      %shift_left3A_1152 = arith.shli %get3A_1146, %shift_left3A_1151 : vector<16xi32>
      %bitcast3A_1153 = vector.bitcast %shift_left3A_1152 : vector<16xi32> to vector<16xf32>
      %add3A_1154 = arith.addf %add3A_1130, %bitcast3A_1153 : vector<16xf32>
      %and3A_1155 = arith.andi %get3A_1146, %broadcast_in_dim3A_92 : vector<16xi32>
      %bitcast3A_1156 = vector.bitcast %and3A_1155 : vector<16xi32> to vector<16xf32>
      %add3A_1157 = arith.addf %add3A_1133, %bitcast3A_1156 : vector<16xf32>
      %shift_left3A_1158 = arith.constant 16 : i32
      %shift_left3A_1159 = vector.broadcast %shift_left3A_1158 : i32 to vector<16xi32>
      %shift_left3A_1160 = arith.shli %get3A_1149, %shift_left3A_1159 : vector<16xi32>
      %bitcast3A_1161 = vector.bitcast %shift_left3A_1160 : vector<16xi32> to vector<16xf32>
      %add3A_1162 = arith.addf %add3A_1138, %bitcast3A_1161 : vector<16xf32>
      %and3A_1163 = arith.andi %get3A_1149, %broadcast_in_dim3A_92 : vector<16xi32>
      %bitcast3A_1164 = vector.bitcast %and3A_1163 : vector<16xi32> to vector<16xf32>
      %add3A_1165 = arith.addf %add3A_1141, %bitcast3A_1164 : vector<16xf32>
      %add3A_1166 = arith.constant 10 : i32
      %add3A_1167 = arith.addi %mul3A_907, %add3A_1166 : i32
      %get3A_1168 = arith.index_cast %add3A_1167 : i32 to index
      %get3A_1169 = arith.constant 0 : index
      %get3A_1170 = tpu.vector_load %arg8[%get3A_1168, %get3A_1169] {strides = array<i32>} : memref<192x32xi32, #tpu.memory_space<vmem>>, vector<16xi32>,
      %get3A_1171 = arith.index_cast %add3A_1167 : i32 to index
      %get3A_1172 = arith.constant 16 : index
      %get3A_1173 = tpu.vector_load %arg8[%get3A_1171, %get3A_1172] {strides = array<i32>} : memref<192x32xi32, #tpu.memory_space<vmem>>, vector<16xi32>,
      %shift_left3A_1174 = arith.constant 16 : i32
      %shift_left3A_1175 = vector.broadcast %shift_left3A_1174 : i32 to vector<16xi32>
      %shift_left3A_1176 = arith.shli %get3A_1170, %shift_left3A_1175 : vector<16xi32>
      %bitcast3A_1177 = vector.bitcast %shift_left3A_1176 : vector<16xi32> to vector<16xf32>
      %add3A_1178 = arith.addf %add3A_1154, %bitcast3A_1177 : vector<16xf32>
      %and3A_1179 = arith.andi %get3A_1170, %broadcast_in_dim3A_92 : vector<16xi32>
      %bitcast3A_1180 = vector.bitcast %and3A_1179 : vector<16xi32> to vector<16xf32>
      %add3A_1181 = arith.addf %add3A_1157, %bitcast3A_1180 : vector<16xf32>
      %shift_left3A_1182 = arith.constant 16 : i32
      %shift_left3A_1183 = vector.broadcast %shift_left3A_1182 : i32 to vector<16xi32>
      %shift_left3A_1184 = arith.shli %get3A_1173, %shift_left3A_1183 : vector<16xi32>
      %bitcast3A_1185 = vector.bitcast %shift_left3A_1184 : vector<16xi32> to vector<16xf32>
      %add3A_1186 = arith.addf %add3A_1162, %bitcast3A_1185 : vector<16xf32>
      %and3A_1187 = arith.andi %get3A_1173, %broadcast_in_dim3A_92 : vector<16xi32>
      %bitcast3A_1188 = vector.bitcast %and3A_1187 : vector<16xi32> to vector<16xf32>
      %add3A_1189 = arith.addf %add3A_1165, %bitcast3A_1188 : vector<16xf32>
      %add3A_1190 = arith.constant 11 : i32
      %add3A_1191 = arith.addi %mul3A_907, %add3A_1190 : i32
      %get3A_1192 = arith.index_cast %add3A_1191 : i32 to index
      %get3A_1193 = arith.constant 0 : index
      %get3A_1194 = tpu.vector_load %arg8[%get3A_1192, %get3A_1193] {strides = array<i32>} : memref<192x32xi32, #tpu.memory_space<vmem>>, vector<16xi32>,
      %get3A_1195 = arith.index_cast %add3A_1191 : i32 to index
      %get3A_1196 = arith.constant 16 : index
      %get3A_1197 = tpu.vector_load %arg8[%get3A_1195, %get3A_1196] {strides = array<i32>} : memref<192x32xi32, #tpu.memory_space<vmem>>, vector<16xi32>,
      %shift_left3A_1198 = arith.constant 16 : i32
      %shift_left3A_1199 = vector.broadcast %shift_left3A_1198 : i32 to vector<16xi32>
      %shift_left3A_1200 = arith.shli %get3A_1194, %shift_left3A_1199 : vector<16xi32>
      %bitcast3A_1201 = vector.bitcast %shift_left3A_1200 : vector<16xi32> to vector<16xf32>
      %add3A_1202 = arith.addf %add3A_1178, %bitcast3A_1201 : vector<16xf32>
      %and3A_1203 = arith.andi %get3A_1194, %broadcast_in_dim3A_92 : vector<16xi32>
      %bitcast3A_1204 = vector.bitcast %and3A_1203 : vector<16xi32> to vector<16xf32>
      %add3A_1205 = arith.addf %add3A_1181, %bitcast3A_1204 : vector<16xf32>
      %shift_left3A_1206 = arith.constant 16 : i32
      %shift_left3A_1207 = vector.broadcast %shift_left3A_1206 : i32 to vector<16xi32>
      %shift_left3A_1208 = arith.shli %get3A_1197, %shift_left3A_1207 : vector<16xi32>
      %bitcast3A_1209 = vector.bitcast %shift_left3A_1208 : vector<16xi32> to vector<16xf32>
      %add3A_1210 = arith.addf %add3A_1186, %bitcast3A_1209 : vector<16xf32>
      %and3A_1211 = arith.andi %get3A_1197, %broadcast_in_dim3A_92 : vector<16xi32>
      %bitcast3A_1212 = vector.bitcast %and3A_1211 : vector<16xi32> to vector<16xf32>
      %add3A_1213 = arith.addf %add3A_1189, %bitcast3A_1212 : vector<16xf32>
      %add3A_1214 = arith.constant 12 : i32
      %add3A_1215 = arith.addi %mul3A_907, %add3A_1214 : i32
      %get3A_1216 = arith.index_cast %add3A_1215 : i32 to index
      %get3A_1217 = arith.constant 0 : index
      %get3A_1218 = tpu.vector_load %arg8[%get3A_1216, %get3A_1217] {strides = array<i32>} : memref<192x32xi32, #tpu.memory_space<vmem>>, vector<16xi32>,
      %get3A_1219 = arith.index_cast %add3A_1215 : i32 to index
      %get3A_1220 = arith.constant 16 : index
      %get3A_1221 = tpu.vector_load %arg8[%get3A_1219, %get3A_1220] {strides = array<i32>} : memref<192x32xi32, #tpu.memory_space<vmem>>, vector<16xi32>,
      %shift_left3A_1222 = arith.constant 16 : i32
      %shift_left3A_1223 = vector.broadcast %shift_left3A_1222 : i32 to vector<16xi32>
      %shift_left3A_1224 = arith.shli %get3A_1218, %shift_left3A_1223 : vector<16xi32>
      %bitcast3A_1225 = vector.bitcast %shift_left3A_1224 : vector<16xi32> to vector<16xf32>
      %add3A_1226 = arith.addf %add3A_1202, %bitcast3A_1225 : vector<16xf32>
      %and3A_1227 = arith.andi %get3A_1218, %broadcast_in_dim3A_92 : vector<16xi32>
      %bitcast3A_1228 = vector.bitcast %and3A_1227 : vector<16xi32> to vector<16xf32>
      %add3A_1229 = arith.addf %add3A_1205, %bitcast3A_1228 : vector<16xf32>
      %shift_left3A_1230 = arith.constant 16 : i32
      %shift_left3A_1231 = vector.broadcast %shift_left3A_1230 : i32 to vector<16xi32>
      %shift_left3A_1232 = arith.shli %get3A_1221, %shift_left3A_1231 : vector<16xi32>
      %bitcast3A_1233 = vector.bitcast %shift_left3A_1232 : vector<16xi32> to vector<16xf32>
      %add3A_1234 = arith.addf %add3A_1210, %bitcast3A_1233 : vector<16xf32>
      %and3A_1235 = arith.andi %get3A_1221, %broadcast_in_dim3A_92 : vector<16xi32>
      %bitcast3A_1236 = vector.bitcast %and3A_1235 : vector<16xi32> to vector<16xf32>
      %add3A_1237 = arith.addf %add3A_1213, %bitcast3A_1236 : vector<16xf32>
      %add3A_1238 = arith.constant 13 : i32
      %add3A_1239 = arith.addi %mul3A_907, %add3A_1238 : i32
      %get3A_1240 = arith.index_cast %add3A_1239 : i32 to index
      %get3A_1241 = arith.constant 0 : index
      %get3A_1242 = tpu.vector_load %arg8[%get3A_1240, %get3A_1241] {strides = array<i32>} : memref<192x32xi32, #tpu.memory_space<vmem>>, vector<16xi32>,
      %get3A_1243 = arith.index_cast %add3A_1239 : i32 to index
      %get3A_1244 = arith.constant 16 : index
      %get3A_1245 = tpu.vector_load %arg8[%get3A_1243, %get3A_1244] {strides = array<i32>} : memref<192x32xi32, #tpu.memory_space<vmem>>, vector<16xi32>,
      %shift_left3A_1246 = arith.constant 16 : i32
      %shift_left3A_1247 = vector.broadcast %shift_left3A_1246 : i32 to vector<16xi32>
      %shift_left3A_1248 = arith.shli %get3A_1242, %shift_left3A_1247 : vector<16xi32>
      %bitcast3A_1249 = vector.bitcast %shift_left3A_1248 : vector<16xi32> to vector<16xf32>
      %add3A_1250 = arith.addf %add3A_1226, %bitcast3A_1249 : vector<16xf32>
      %and3A_1251 = arith.andi %get3A_1242, %broadcast_in_dim3A_92 : vector<16xi32>
      %bitcast3A_1252 = vector.bitcast %and3A_1251 : vector<16xi32> to vector<16xf32>
      %add3A_1253 = arith.addf %add3A_1229, %bitcast3A_1252 : vector<16xf32>
      %shift_left3A_1254 = arith.constant 16 : i32
      %shift_left3A_1255 = vector.broadcast %shift_left3A_1254 : i32 to vector<16xi32>
      %shift_left3A_1256 = arith.shli %get3A_1245, %shift_left3A_1255 : vector<16xi32>
      %bitcast3A_1257 = vector.bitcast %shift_left3A_1256 : vector<16xi32> to vector<16xf32>
      %add3A_1258 = arith.addf %add3A_1234, %bitcast3A_1257 : vector<16xf32>
      %and3A_1259 = arith.andi %get3A_1245, %broadcast_in_dim3A_92 : vector<16xi32>
      %bitcast3A_1260 = vector.bitcast %and3A_1259 : vector<16xi32> to vector<16xf32>
      %add3A_1261 = arith.addf %add3A_1237, %bitcast3A_1260 : vector<16xf32>
      %add3A_1262 = arith.constant 14 : i32
      %add3A_1263 = arith.addi %mul3A_907, %add3A_1262 : i32
      %get3A_1264 = arith.index_cast %add3A_1263 : i32 to index
      %get3A_1265 = arith.constant 0 : index
      %get3A_1266 = tpu.vector_load %arg8[%get3A_1264, %get3A_1265] {strides = array<i32>} : memref<192x32xi32, #tpu.memory_space<vmem>>, vector<16xi32>,
      %get3A_1267 = arith.index_cast %add3A_1263 : i32 to index
      %get3A_1268 = arith.constant 16 : index
      %get3A_1269 = tpu.vector_load %arg8[%get3A_1267, %get3A_1268] {strides = array<i32>} : memref<192x32xi32, #tpu.memory_space<vmem>>, vector<16xi32>,
      %shift_left3A_1270 = arith.constant 16 : i32
      %shift_left3A_1271 = vector.broadcast %shift_left3A_1270 : i32 to vector<16xi32>
      %shift_left3A_1272 = arith.shli %get3A_1266, %shift_left3A_1271 : vector<16xi32>
      %bitcast3A_1273 = vector.bitcast %shift_left3A_1272 : vector<16xi32> to vector<16xf32>
      %add3A_1274 = arith.addf %add3A_1250, %bitcast3A_1273 : vector<16xf32>
      %and3A_1275 = arith.andi %get3A_1266, %broadcast_in_dim3A_92 : vector<16xi32>
      %bitcast3A_1276 = vector.bitcast %and3A_1275 : vector<16xi32> to vector<16xf32>
      %add3A_1277 = arith.addf %add3A_1253, %bitcast3A_1276 : vector<16xf32>
      %shift_left3A_1278 = arith.constant 16 : i32
      %shift_left3A_1279 = vector.broadcast %shift_left3A_1278 : i32 to vector<16xi32>
      %shift_left3A_1280 = arith.shli %get3A_1269, %shift_left3A_1279 : vector<16xi32>
      %bitcast3A_1281 = vector.bitcast %shift_left3A_1280 : vector<16xi32> to vector<16xf32>
      %add3A_1282 = arith.addf %add3A_1258, %bitcast3A_1281 : vector<16xf32>
      %and3A_1283 = arith.andi %get3A_1269, %broadcast_in_dim3A_92 : vector<16xi32>
      %bitcast3A_1284 = vector.bitcast %and3A_1283 : vector<16xi32> to vector<16xf32>
      %add3A_1285 = arith.addf %add3A_1261, %bitcast3A_1284 : vector<16xf32>
      %add3A_1286 = arith.constant 15 : i32
      %add3A_1287 = arith.addi %mul3A_907, %add3A_1286 : i32
      %get3A_1288 = arith.index_cast %add3A_1287 : i32 to index
      %get3A_1289 = arith.constant 0 : index
      %get3A_1290 = tpu.vector_load %arg8[%get3A_1288, %get3A_1289] {strides = array<i32>} : memref<192x32xi32, #tpu.memory_space<vmem>>, vector<16xi32>,
      %get3A_1291 = arith.index_cast %add3A_1287 : i32 to index
      %get3A_1292 = arith.constant 16 : index
      %get3A_1293 = tpu.vector_load %arg8[%get3A_1291, %get3A_1292] {strides = array<i32>} : memref<192x32xi32, #tpu.memory_space<vmem>>, vector<16xi32>,
      %shift_left3A_1294 = arith.constant 16 : i32
      %shift_left3A_1295 = vector.broadcast %shift_left3A_1294 : i32 to vector<16xi32>
      %shift_left3A_1296 = arith.shli %get3A_1290, %shift_left3A_1295 : vector<16xi32>
      %bitcast3A_1297 = vector.bitcast %shift_left3A_1296 : vector<16xi32> to vector<16xf32>
      %add3A_1298 = arith.addf %add3A_1274, %bitcast3A_1297 : vector<16xf32>
      %and3A_1299 = arith.andi %get3A_1290, %broadcast_in_dim3A_92 : vector<16xi32>
      %bitcast3A_1300 = vector.bitcast %and3A_1299 : vector<16xi32> to vector<16xf32>
      %add3A_1301 = arith.addf %add3A_1277, %bitcast3A_1300 : vector<16xf32>
      %shift_left3A_1302 = arith.constant 16 : i32
      %shift_left3A_1303 = vector.broadcast %shift_left3A_1302 : i32 to vector<16xi32>
      %shift_left3A_1304 = arith.shli %get3A_1293, %shift_left3A_1303 : vector<16xi32>
      %bitcast3A_1305 = vector.bitcast %shift_left3A_1304 : vector<16xi32> to vector<16xf32>
      %add3A_1306 = arith.addf %add3A_1282, %bitcast3A_1305 : vector<16xf32>
      %and3A_1307 = arith.andi %get3A_1293, %broadcast_in_dim3A_92 : vector<16xi32>
      %bitcast3A_1308 = vector.bitcast %and3A_1307 : vector<16xi32> to vector<16xf32>
      %add3A_1309 = arith.addf %add3A_1285, %bitcast3A_1308 : vector<16xf32>
      %add3A_1310 = arith.constant 16 : i32
      %add3A_1311 = arith.addi %mul3A_907, %add3A_1310 : i32
      %get3A_1312 = arith.index_cast %add3A_1311 : i32 to index
      %get3A_1313 = arith.constant 0 : index
      %get3A_1314 = tpu.vector_load %arg8[%get3A_1312, %get3A_1313] {strides = array<i32>} : memref<192x32xi32, #tpu.memory_space<vmem>>, vector<16xi32>,
      %get3A_1315 = arith.index_cast %add3A_1311 : i32 to index
      %get3A_1316 = arith.constant 16 : index
      %get3A_1317 = tpu.vector_load %arg8[%get3A_1315, %get3A_1316] {strides = array<i32>} : memref<192x32xi32, #tpu.memory_space<vmem>>, vector<16xi32>,
      %shift_left3A_1318 = arith.constant 16 : i32
      %shift_left3A_1319 = vector.broadcast %shift_left3A_1318 : i32 to vector<16xi32>
      %shift_left3A_1320 = arith.shli %get3A_1314, %shift_left3A_1319 : vector<16xi32>
      %bitcast3A_1321 = vector.bitcast %shift_left3A_1320 : vector<16xi32> to vector<16xf32>
      %add3A_1322 = arith.addf %add3A_1298, %bitcast3A_1321 : vector<16xf32>
      %and3A_1323 = arith.andi %get3A_1314, %broadcast_in_dim3A_92 : vector<16xi32>
      %bitcast3A_1324 = vector.bitcast %and3A_1323 : vector<16xi32> to vector<16xf32>
      %add3A_1325 = arith.addf %add3A_1301, %bitcast3A_1324 : vector<16xf32>
      %shift_left3A_1326 = arith.constant 16 : i32
      %shift_left3A_1327 = vector.broadcast %shift_left3A_1326 : i32 to vector<16xi32>
      %shift_left3A_1328 = arith.shli %get3A_1317, %shift_left3A_1327 : vector<16xi32>
      %bitcast3A_1329 = vector.bitcast %shift_left3A_1328 : vector<16xi32> to vector<16xf32>
      %add3A_1330 = arith.addf %add3A_1306, %bitcast3A_1329 : vector<16xf32>
      %and3A_1331 = arith.andi %get3A_1317, %broadcast_in_dim3A_92 : vector<16xi32>
      %bitcast3A_1332 = vector.bitcast %and3A_1331 : vector<16xi32> to vector<16xf32>
      %add3A_1333 = arith.addf %add3A_1309, %bitcast3A_1332 : vector<16xf32>
      %add3A_1334 = arith.constant 17 : i32
      %add3A_1335 = arith.addi %mul3A_907, %add3A_1334 : i32
      %get3A_1336 = arith.index_cast %add3A_1335 : i32 to index
      %get3A_1337 = arith.constant 0 : index
      %get3A_1338 = tpu.vector_load %arg8[%get3A_1336, %get3A_1337] {strides = array<i32>} : memref<192x32xi32, #tpu.memory_space<vmem>>, vector<16xi32>,
      %get3A_1339 = arith.index_cast %add3A_1335 : i32 to index
      %get3A_1340 = arith.constant 16 : index
      %get3A_1341 = tpu.vector_load %arg8[%get3A_1339, %get3A_1340] {strides = array<i32>} : memref<192x32xi32, #tpu.memory_space<vmem>>, vector<16xi32>,
      %shift_left3A_1342 = arith.constant 16 : i32
      %shift_left3A_1343 = vector.broadcast %shift_left3A_1342 : i32 to vector<16xi32>
      %shift_left3A_1344 = arith.shli %get3A_1338, %shift_left3A_1343 : vector<16xi32>
      %bitcast3A_1345 = vector.bitcast %shift_left3A_1344 : vector<16xi32> to vector<16xf32>
      %add3A_1346 = arith.addf %add3A_1322, %bitcast3A_1345 : vector<16xf32>
      %and3A_1347 = arith.andi %get3A_1338, %broadcast_in_dim3A_92 : vector<16xi32>
      %bitcast3A_1348 = vector.bitcast %and3A_1347 : vector<16xi32> to vector<16xf32>
      %add3A_1349 = arith.addf %add3A_1325, %bitcast3A_1348 : vector<16xf32>
      %shift_left3A_1350 = arith.constant 16 : i32
      %shift_left3A_1351 = vector.broadcast %shift_left3A_1350 : i32 to vector<16xi32>
      %shift_left3A_1352 = arith.shli %get3A_1341, %shift_left3A_1351 : vector<16xi32>
      %bitcast3A_1353 = vector.bitcast %shift_left3A_1352 : vector<16xi32> to vector<16xf32>
      %add3A_1354 = arith.addf %add3A_1330, %bitcast3A_1353 : vector<16xf32>
      %and3A_1355 = arith.andi %get3A_1341, %broadcast_in_dim3A_92 : vector<16xi32>
      %bitcast3A_1356 = vector.bitcast %and3A_1355 : vector<16xi32> to vector<16xf32>
      %add3A_1357 = arith.addf %add3A_1333, %bitcast3A_1356 : vector<16xf32>
      %add3A_1358 = arith.constant 18 : i32
      %add3A_1359 = arith.addi %mul3A_907, %add3A_1358 : i32
      %get3A_1360 = arith.index_cast %add3A_1359 : i32 to index
      %get3A_1361 = arith.constant 0 : index
      %get3A_1362 = tpu.vector_load %arg8[%get3A_1360, %get3A_1361] {strides = array<i32>} : memref<192x32xi32, #tpu.memory_space<vmem>>, vector<16xi32>,
      %get3A_1363 = arith.index_cast %add3A_1359 : i32 to index
      %get3A_1364 = arith.constant 16 : index
      %get3A_1365 = tpu.vector_load %arg8[%get3A_1363, %get3A_1364] {strides = array<i32>} : memref<192x32xi32, #tpu.memory_space<vmem>>, vector<16xi32>,
      %shift_left3A_1366 = arith.constant 16 : i32
      %shift_left3A_1367 = vector.broadcast %shift_left3A_1366 : i32 to vector<16xi32>
      %shift_left3A_1368 = arith.shli %get3A_1362, %shift_left3A_1367 : vector<16xi32>
      %bitcast3A_1369 = vector.bitcast %shift_left3A_1368 : vector<16xi32> to vector<16xf32>
      %add3A_1370 = arith.addf %add3A_1346, %bitcast3A_1369 : vector<16xf32>
      %and3A_1371 = arith.andi %get3A_1362, %broadcast_in_dim3A_92 : vector<16xi32>
      %bitcast3A_1372 = vector.bitcast %and3A_1371 : vector<16xi32> to vector<16xf32>
      %add3A_1373 = arith.addf %add3A_1349, %bitcast3A_1372 : vector<16xf32>
      %shift_left3A_1374 = arith.constant 16 : i32
      %shift_left3A_1375 = vector.broadcast %shift_left3A_1374 : i32 to vector<16xi32>
      %shift_left3A_1376 = arith.shli %get3A_1365, %shift_left3A_1375 : vector<16xi32>
      %bitcast3A_1377 = vector.bitcast %shift_left3A_1376 : vector<16xi32> to vector<16xf32>
      %add3A_1378 = arith.addf %add3A_1354, %bitcast3A_1377 : vector<16xf32>
      %and3A_1379 = arith.andi %get3A_1365, %broadcast_in_dim3A_92 : vector<16xi32>
      %bitcast3A_1380 = vector.bitcast %and3A_1379 : vector<16xi32> to vector<16xf32>
      %add3A_1381 = arith.addf %add3A_1357, %bitcast3A_1380 : vector<16xf32>
      %add3A_1382 = arith.constant 19 : i32
      %add3A_1383 = arith.addi %mul3A_907, %add3A_1382 : i32
      %get3A_1384 = arith.index_cast %add3A_1383 : i32 to index
      %get3A_1385 = arith.constant 0 : index
      %get3A_1386 = tpu.vector_load %arg8[%get3A_1384, %get3A_1385] {strides = array<i32>} : memref<192x32xi32, #tpu.memory_space<vmem>>, vector<16xi32>,
      %get3A_1387 = arith.index_cast %add3A_1383 : i32 to index
      %get3A_1388 = arith.constant 16 : index
      %get3A_1389 = tpu.vector_load %arg8[%get3A_1387, %get3A_1388] {strides = array<i32>} : memref<192x32xi32, #tpu.memory_space<vmem>>, vector<16xi32>,
      %shift_left3A_1390 = arith.constant 16 : i32
      %shift_left3A_1391 = vector.broadcast %shift_left3A_1390 : i32 to vector<16xi32>
      %shift_left3A_1392 = arith.shli %get3A_1386, %shift_left3A_1391 : vector<16xi32>
      %bitcast3A_1393 = vector.bitcast %shift_left3A_1392 : vector<16xi32> to vector<16xf32>
      %add3A_1394 = arith.addf %add3A_1370, %bitcast3A_1393 : vector<16xf32>
      %and3A_1395 = arith.andi %get3A_1386, %broadcast_in_dim3A_92 : vector<16xi32>
      %bitcast3A_1396 = vector.bitcast %and3A_1395 : vector<16xi32> to vector<16xf32>
      %add3A_1397 = arith.addf %add3A_1373, %bitcast3A_1396 : vector<16xf32>
      %shift_left3A_1398 = arith.constant 16 : i32
      %shift_left3A_1399 = vector.broadcast %shift_left3A_1398 : i32 to vector<16xi32>
      %shift_left3A_1400 = arith.shli %get3A_1389, %shift_left3A_1399 : vector<16xi32>
      %bitcast3A_1401 = vector.bitcast %shift_left3A_1400 : vector<16xi32> to vector<16xf32>
      %add3A_1402 = arith.addf %add3A_1378, %bitcast3A_1401 : vector<16xf32>
      %and3A_1403 = arith.andi %get3A_1389, %broadcast_in_dim3A_92 : vector<16xi32>
      %bitcast3A_1404 = vector.bitcast %and3A_1403 : vector<16xi32> to vector<16xf32>
      %add3A_1405 = arith.addf %add3A_1381, %bitcast3A_1404 : vector<16xf32>
      %add3A_1406 = arith.constant 20 : i32
      %add3A_1407 = arith.addi %mul3A_907, %add3A_1406 : i32
      %get3A_1408 = arith.index_cast %add3A_1407 : i32 to index
      %get3A_1409 = arith.constant 0 : index
      %get3A_1410 = tpu.vector_load %arg8[%get3A_1408, %get3A_1409] {strides = array<i32>} : memref<192x32xi32, #tpu.memory_space<vmem>>, vector<16xi32>,
      %get3A_1411 = arith.index_cast %add3A_1407 : i32 to index
      %get3A_1412 = arith.constant 16 : index
      %get3A_1413 = tpu.vector_load %arg8[%get3A_1411, %get3A_1412] {strides = array<i32>} : memref<192x32xi32, #tpu.memory_space<vmem>>, vector<16xi32>,
      %shift_left3A_1414 = arith.constant 16 : i32
      %shift_left3A_1415 = vector.broadcast %shift_left3A_1414 : i32 to vector<16xi32>
      %shift_left3A_1416 = arith.shli %get3A_1410, %shift_left3A_1415 : vector<16xi32>
      %bitcast3A_1417 = vector.bitcast %shift_left3A_1416 : vector<16xi32> to vector<16xf32>
      %add3A_1418 = arith.addf %add3A_1394, %bitcast3A_1417 : vector<16xf32>
      %and3A_1419 = arith.andi %get3A_1410, %broadcast_in_dim3A_92 : vector<16xi32>
      %bitcast3A_1420 = vector.bitcast %and3A_1419 : vector<16xi32> to vector<16xf32>
      %add3A_1421 = arith.addf %add3A_1397, %bitcast3A_1420 : vector<16xf32>
      %shift_left3A_1422 = arith.constant 16 : i32
      %shift_left3A_1423 = vector.broadcast %shift_left3A_1422 : i32 to vector<16xi32>
      %shift_left3A_1424 = arith.shli %get3A_1413, %shift_left3A_1423 : vector<16xi32>
      %bitcast3A_1425 = vector.bitcast %shift_left3A_1424 : vector<16xi32> to vector<16xf32>
      %add3A_1426 = arith.addf %add3A_1402, %bitcast3A_1425 : vector<16xf32>
      %and3A_1427 = arith.andi %get3A_1413, %broadcast_in_dim3A_92 : vector<16xi32>
      %bitcast3A_1428 = vector.bitcast %and3A_1427 : vector<16xi32> to vector<16xf32>
      %add3A_1429 = arith.addf %add3A_1405, %bitcast3A_1428 : vector<16xf32>
      %add3A_1430 = arith.constant 21 : i32
      %add3A_1431 = arith.addi %mul3A_907, %add3A_1430 : i32
      %get3A_1432 = arith.index_cast %add3A_1431 : i32 to index
      %get3A_1433 = arith.constant 0 : index
      %get3A_1434 = tpu.vector_load %arg8[%get3A_1432, %get3A_1433] {strides = array<i32>} : memref<192x32xi32, #tpu.memory_space<vmem>>, vector<16xi32>,
      %get3A_1435 = arith.index_cast %add3A_1431 : i32 to index
      %get3A_1436 = arith.constant 16 : index
      %get3A_1437 = tpu.vector_load %arg8[%get3A_1435, %get3A_1436] {strides = array<i32>} : memref<192x32xi32, #tpu.memory_space<vmem>>, vector<16xi32>,
      %shift_left3A_1438 = arith.constant 16 : i32
      %shift_left3A_1439 = vector.broadcast %shift_left3A_1438 : i32 to vector<16xi32>
      %shift_left3A_1440 = arith.shli %get3A_1434, %shift_left3A_1439 : vector<16xi32>
      %bitcast3A_1441 = vector.bitcast %shift_left3A_1440 : vector<16xi32> to vector<16xf32>
      %add3A_1442 = arith.addf %add3A_1418, %bitcast3A_1441 : vector<16xf32>
      %and3A_1443 = arith.andi %get3A_1434, %broadcast_in_dim3A_92 : vector<16xi32>
      %bitcast3A_1444 = vector.bitcast %and3A_1443 : vector<16xi32> to vector<16xf32>
      %add3A_1445 = arith.addf %add3A_1421, %bitcast3A_1444 : vector<16xf32>
      %shift_left3A_1446 = arith.constant 16 : i32
      %shift_left3A_1447 = vector.broadcast %shift_left3A_1446 : i32 to vector<16xi32>
      %shift_left3A_1448 = arith.shli %get3A_1437, %shift_left3A_1447 : vector<16xi32>
      %bitcast3A_1449 = vector.bitcast %shift_left3A_1448 : vector<16xi32> to vector<16xf32>
      %add3A_1450 = arith.addf %add3A_1426, %bitcast3A_1449 : vector<16xf32>
      %and3A_1451 = arith.andi %get3A_1437, %broadcast_in_dim3A_92 : vector<16xi32>
      %bitcast3A_1452 = vector.bitcast %and3A_1451 : vector<16xi32> to vector<16xf32>
      %add3A_1453 = arith.addf %add3A_1429, %bitcast3A_1452 : vector<16xf32>
      %add3A_1454 = arith.constant 22 : i32
      %add3A_1455 = arith.addi %mul3A_907, %add3A_1454 : i32
      %get3A_1456 = arith.index_cast %add3A_1455 : i32 to index
      %get3A_1457 = arith.constant 0 : index
      %get3A_1458 = tpu.vector_load %arg8[%get3A_1456, %get3A_1457] {strides = array<i32>} : memref<192x32xi32, #tpu.memory_space<vmem>>, vector<16xi32>,
      %get3A_1459 = arith.index_cast %add3A_1455 : i32 to index
      %get3A_1460 = arith.constant 16 : index
      %get3A_1461 = tpu.vector_load %arg8[%get3A_1459, %get3A_1460] {strides = array<i32>} : memref<192x32xi32, #tpu.memory_space<vmem>>, vector<16xi32>,
      %shift_left3A_1462 = arith.constant 16 : i32
      %shift_left3A_1463 = vector.broadcast %shift_left3A_1462 : i32 to vector<16xi32>
      %shift_left3A_1464 = arith.shli %get3A_1458, %shift_left3A_1463 : vector<16xi32>
      %bitcast3A_1465 = vector.bitcast %shift_left3A_1464 : vector<16xi32> to vector<16xf32>
      %add3A_1466 = arith.addf %add3A_1442, %bitcast3A_1465 : vector<16xf32>
      %and3A_1467 = arith.andi %get3A_1458, %broadcast_in_dim3A_92 : vector<16xi32>
      %bitcast3A_1468 = vector.bitcast %and3A_1467 : vector<16xi32> to vector<16xf32>
      %add3A_1469 = arith.addf %add3A_1445, %bitcast3A_1468 : vector<16xf32>
      %shift_left3A_1470 = arith.constant 16 : i32
      %shift_left3A_1471 = vector.broadcast %shift_left3A_1470 : i32 to vector<16xi32>
      %shift_left3A_1472 = arith.shli %get3A_1461, %shift_left3A_1471 : vector<16xi32>
      %bitcast3A_1473 = vector.bitcast %shift_left3A_1472 : vector<16xi32> to vector<16xf32>
      %add3A_1474 = arith.addf %add3A_1450, %bitcast3A_1473 : vector<16xf32>
      %and3A_1475 = arith.andi %get3A_1461, %broadcast_in_dim3A_92 : vector<16xi32>
      %bitcast3A_1476 = vector.bitcast %and3A_1475 : vector<16xi32> to vector<16xf32>
      %add3A_1477 = arith.addf %add3A_1453, %bitcast3A_1476 : vector<16xf32>
      %add3A_1478 = arith.constant 23 : i32
      %add3A_1479 = arith.addi %mul3A_907, %add3A_1478 : i32
      %get3A_1480 = arith.index_cast %add3A_1479 : i32 to index
      %get3A_1481 = arith.constant 0 : index
      %get3A_1482 = tpu.vector_load %arg8[%get3A_1480, %get3A_1481] {strides = array<i32>} : memref<192x32xi32, #tpu.memory_space<vmem>>, vector<16xi32>,
      %get3A_1483 = arith.index_cast %add3A_1479 : i32 to index
      %get3A_1484 = arith.constant 16 : index
      %get3A_1485 = tpu.vector_load %arg8[%get3A_1483, %get3A_1484] {strides = array<i32>} : memref<192x32xi32, #tpu.memory_space<vmem>>, vector<16xi32>,
      %shift_left3A_1486 = arith.constant 16 : i32
      %shift_left3A_1487 = vector.broadcast %shift_left3A_1486 : i32 to vector<16xi32>
      %shift_left3A_1488 = arith.shli %get3A_1482, %shift_left3A_1487 : vector<16xi32>
      %bitcast3A_1489 = vector.bitcast %shift_left3A_1488 : vector<16xi32> to vector<16xf32>
      %add3A_1490 = arith.addf %add3A_1466, %bitcast3A_1489 : vector<16xf32>
      %and3A_1491 = arith.andi %get3A_1482, %broadcast_in_dim3A_92 : vector<16xi32>
      %bitcast3A_1492 = vector.bitcast %and3A_1491 : vector<16xi32> to vector<16xf32>
      %add3A_1493 = arith.addf %add3A_1469, %bitcast3A_1492 : vector<16xf32>
      %shift_left3A_1494 = arith.constant 16 : i32
      %shift_left3A_1495 = vector.broadcast %shift_left3A_1494 : i32 to vector<16xi32>
      %shift_left3A_1496 = arith.shli %get3A_1485, %shift_left3A_1495 : vector<16xi32>
      %bitcast3A_1497 = vector.bitcast %shift_left3A_1496 : vector<16xi32> to vector<16xf32>
      %add3A_1498 = arith.addf %add3A_1474, %bitcast3A_1497 : vector<16xf32>
      %and3A_1499 = arith.andi %get3A_1485, %broadcast_in_dim3A_92 : vector<16xi32>
      %bitcast3A_1500 = vector.bitcast %and3A_1499 : vector<16xi32> to vector<16xf32>
      %add3A_1501 = arith.addf %add3A_1477, %bitcast3A_1500 : vector<16xf32>
      %add3A_1502 = arith.constant 24 : i32
      %add3A_1503 = arith.addi %mul3A_907, %add3A_1502 : i32
      %get3A_1504 = arith.index_cast %add3A_1503 : i32 to index
      %get3A_1505 = arith.constant 0 : index
      %get3A_1506 = tpu.vector_load %arg8[%get3A_1504, %get3A_1505] {strides = array<i32>} : memref<192x32xi32, #tpu.memory_space<vmem>>, vector<16xi32>,
      %get3A_1507 = arith.index_cast %add3A_1503 : i32 to index
      %get3A_1508 = arith.constant 16 : index
      %get3A_1509 = tpu.vector_load %arg8[%get3A_1507, %get3A_1508] {strides = array<i32>} : memref<192x32xi32, #tpu.memory_space<vmem>>, vector<16xi32>,
      %shift_left3A_1510 = arith.constant 16 : i32
      %shift_left3A_1511 = vector.broadcast %shift_left3A_1510 : i32 to vector<16xi32>
      %shift_left3A_1512 = arith.shli %get3A_1506, %shift_left3A_1511 : vector<16xi32>
      %bitcast3A_1513 = vector.bitcast %shift_left3A_1512 : vector<16xi32> to vector<16xf32>
      %add3A_1514 = arith.addf %add3A_1490, %bitcast3A_1513 : vector<16xf32>
      %and3A_1515 = arith.andi %get3A_1506, %broadcast_in_dim3A_92 : vector<16xi32>
      %bitcast3A_1516 = vector.bitcast %and3A_1515 : vector<16xi32> to vector<16xf32>
      %add3A_1517 = arith.addf %add3A_1493, %bitcast3A_1516 : vector<16xf32>
      %shift_left3A_1518 = arith.constant 16 : i32
      %shift_left3A_1519 = vector.broadcast %shift_left3A_1518 : i32 to vector<16xi32>
      %shift_left3A_1520 = arith.shli %get3A_1509, %shift_left3A_1519 : vector<16xi32>
      %bitcast3A_1521 = vector.bitcast %shift_left3A_1520 : vector<16xi32> to vector<16xf32>
      %add3A_1522 = arith.addf %add3A_1498, %bitcast3A_1521 : vector<16xf32>
      %and3A_1523 = arith.andi %get3A_1509, %broadcast_in_dim3A_92 : vector<16xi32>
      %bitcast3A_1524 = vector.bitcast %and3A_1523 : vector<16xi32> to vector<16xf32>
      %add3A_1525 = arith.addf %add3A_1501, %bitcast3A_1524 : vector<16xf32>
      %add3A_1526 = arith.constant 25 : i32
      %add3A_1527 = arith.addi %mul3A_907, %add3A_1526 : i32
      %get3A_1528 = arith.index_cast %add3A_1527 : i32 to index
      %get3A_1529 = arith.constant 0 : index
      %get3A_1530 = tpu.vector_load %arg8[%get3A_1528, %get3A_1529] {strides = array<i32>} : memref<192x32xi32, #tpu.memory_space<vmem>>, vector<16xi32>,
      %get3A_1531 = arith.index_cast %add3A_1527 : i32 to index
      %get3A_1532 = arith.constant 16 : index
      %get3A_1533 = tpu.vector_load %arg8[%get3A_1531, %get3A_1532] {strides = array<i32>} : memref<192x32xi32, #tpu.memory_space<vmem>>, vector<16xi32>,
      %shift_left3A_1534 = arith.constant 16 : i32
      %shift_left3A_1535 = vector.broadcast %shift_left3A_1534 : i32 to vector<16xi32>
      %shift_left3A_1536 = arith.shli %get3A_1530, %shift_left3A_1535 : vector<16xi32>
      %bitcast3A_1537 = vector.bitcast %shift_left3A_1536 : vector<16xi32> to vector<16xf32>
      %add3A_1538 = arith.addf %add3A_1514, %bitcast3A_1537 : vector<16xf32>
      %and3A_1539 = arith.andi %get3A_1530, %broadcast_in_dim3A_92 : vector<16xi32>
      %bitcast3A_1540 = vector.bitcast %and3A_1539 : vector<16xi32> to vector<16xf32>
      %add3A_1541 = arith.addf %add3A_1517, %bitcast3A_1540 : vector<16xf32>
      %shift_left3A_1542 = arith.constant 16 : i32
      %shift_left3A_1543 = vector.broadcast %shift_left3A_1542 : i32 to vector<16xi32>
      %shift_left3A_1544 = arith.shli %get3A_1533, %shift_left3A_1543 : vector<16xi32>
      %bitcast3A_1545 = vector.bitcast %shift_left3A_1544 : vector<16xi32> to vector<16xf32>
      %add3A_1546 = arith.addf %add3A_1522, %bitcast3A_1545 : vector<16xf32>
      %and3A_1547 = arith.andi %get3A_1533, %broadcast_in_dim3A_92 : vector<16xi32>
      %bitcast3A_1548 = vector.bitcast %and3A_1547 : vector<16xi32> to vector<16xf32>
      %add3A_1549 = arith.addf %add3A_1525, %bitcast3A_1548 : vector<16xf32>
      %add3A_1550 = arith.constant 26 : i32
      %add3A_1551 = arith.addi %mul3A_907, %add3A_1550 : i32
      %get3A_1552 = arith.index_cast %add3A_1551 : i32 to index
      %get3A_1553 = arith.constant 0 : index
      %get3A_1554 = tpu.vector_load %arg8[%get3A_1552, %get3A_1553] {strides = array<i32>} : memref<192x32xi32, #tpu.memory_space<vmem>>, vector<16xi32>,
      %get3A_1555 = arith.index_cast %add3A_1551 : i32 to index
      %get3A_1556 = arith.constant 16 : index
      %get3A_1557 = tpu.vector_load %arg8[%get3A_1555, %get3A_1556] {strides = array<i32>} : memref<192x32xi32, #tpu.memory_space<vmem>>, vector<16xi32>,
      %shift_left3A_1558 = arith.constant 16 : i32
      %shift_left3A_1559 = vector.broadcast %shift_left3A_1558 : i32 to vector<16xi32>
      %shift_left3A_1560 = arith.shli %get3A_1554, %shift_left3A_1559 : vector<16xi32>
      %bitcast3A_1561 = vector.bitcast %shift_left3A_1560 : vector<16xi32> to vector<16xf32>
      %add3A_1562 = arith.addf %add3A_1538, %bitcast3A_1561 : vector<16xf32>
      %and3A_1563 = arith.andi %get3A_1554, %broadcast_in_dim3A_92 : vector<16xi32>
      %bitcast3A_1564 = vector.bitcast %and3A_1563 : vector<16xi32> to vector<16xf32>
      %add3A_1565 = arith.addf %add3A_1541, %bitcast3A_1564 : vector<16xf32>
      %shift_left3A_1566 = arith.constant 16 : i32
      %shift_left3A_1567 = vector.broadcast %shift_left3A_1566 : i32 to vector<16xi32>
      %shift_left3A_1568 = arith.shli %get3A_1557, %shift_left3A_1567 : vector<16xi32>
      %bitcast3A_1569 = vector.bitcast %shift_left3A_1568 : vector<16xi32> to vector<16xf32>
      %add3A_1570 = arith.addf %add3A_1546, %bitcast3A_1569 : vector<16xf32>
      %and3A_1571 = arith.andi %get3A_1557, %broadcast_in_dim3A_92 : vector<16xi32>
      %bitcast3A_1572 = vector.bitcast %and3A_1571 : vector<16xi32> to vector<16xf32>
      %add3A_1573 = arith.addf %add3A_1549, %bitcast3A_1572 : vector<16xf32>
      %add3A_1574 = arith.constant 27 : i32
      %add3A_1575 = arith.addi %mul3A_907, %add3A_1574 : i32
      %get3A_1576 = arith.index_cast %add3A_1575 : i32 to index
      %get3A_1577 = arith.constant 0 : index
      %get3A_1578 = tpu.vector_load %arg8[%get3A_1576, %get3A_1577] {strides = array<i32>} : memref<192x32xi32, #tpu.memory_space<vmem>>, vector<16xi32>,
      %get3A_1579 = arith.index_cast %add3A_1575 : i32 to index
      %get3A_1580 = arith.constant 16 : index
      %get3A_1581 = tpu.vector_load %arg8[%get3A_1579, %get3A_1580] {strides = array<i32>} : memref<192x32xi32, #tpu.memory_space<vmem>>, vector<16xi32>,
      %shift_left3A_1582 = arith.constant 16 : i32
      %shift_left3A_1583 = vector.broadcast %shift_left3A_1582 : i32 to vector<16xi32>
      %shift_left3A_1584 = arith.shli %get3A_1578, %shift_left3A_1583 : vector<16xi32>
      %bitcast3A_1585 = vector.bitcast %shift_left3A_1584 : vector<16xi32> to vector<16xf32>
      %add3A_1586 = arith.addf %add3A_1562, %bitcast3A_1585 : vector<16xf32>
      %and3A_1587 = arith.andi %get3A_1578, %broadcast_in_dim3A_92 : vector<16xi32>
      %bitcast3A_1588 = vector.bitcast %and3A_1587 : vector<16xi32> to vector<16xf32>
      %add3A_1589 = arith.addf %add3A_1565, %bitcast3A_1588 : vector<16xf32>
      %shift_left3A_1590 = arith.constant 16 : i32
      %shift_left3A_1591 = vector.broadcast %shift_left3A_1590 : i32 to vector<16xi32>
      %shift_left3A_1592 = arith.shli %get3A_1581, %shift_left3A_1591 : vector<16xi32>
      %bitcast3A_1593 = vector.bitcast %shift_left3A_1592 : vector<16xi32> to vector<16xf32>
      %add3A_1594 = arith.addf %add3A_1570, %bitcast3A_1593 : vector<16xf32>
      %and3A_1595 = arith.andi %get3A_1581, %broadcast_in_dim3A_92 : vector<16xi32>
      %bitcast3A_1596 = vector.bitcast %and3A_1595 : vector<16xi32> to vector<16xf32>
      %add3A_1597 = arith.addf %add3A_1573, %bitcast3A_1596 : vector<16xf32>
      %add3A_1598 = arith.constant 28 : i32
      %add3A_1599 = arith.addi %mul3A_907, %add3A_1598 : i32
      %get3A_1600 = arith.index_cast %add3A_1599 : i32 to index
      %get3A_1601 = arith.constant 0 : index
      %get3A_1602 = tpu.vector_load %arg8[%get3A_1600, %get3A_1601] {strides = array<i32>} : memref<192x32xi32, #tpu.memory_space<vmem>>, vector<16xi32>,
      %get3A_1603 = arith.index_cast %add3A_1599 : i32 to index
      %get3A_1604 = arith.constant 16 : index
      %get3A_1605 = tpu.vector_load %arg8[%get3A_1603, %get3A_1604] {strides = array<i32>} : memref<192x32xi32, #tpu.memory_space<vmem>>, vector<16xi32>,
      %shift_left3A_1606 = arith.constant 16 : i32
      %shift_left3A_1607 = vector.broadcast %shift_left3A_1606 : i32 to vector<16xi32>
      %shift_left3A_1608 = arith.shli %get3A_1602, %shift_left3A_1607 : vector<16xi32>
      %bitcast3A_1609 = vector.bitcast %shift_left3A_1608 : vector<16xi32> to vector<16xf32>
      %add3A_1610 = arith.addf %add3A_1586, %bitcast3A_1609 : vector<16xf32>
      %and3A_1611 = arith.andi %get3A_1602, %broadcast_in_dim3A_92 : vector<16xi32>
      %bitcast3A_1612 = vector.bitcast %and3A_1611 : vector<16xi32> to vector<16xf32>
      %add3A_1613 = arith.addf %add3A_1589, %bitcast3A_1612 : vector<16xf32>
      %shift_left3A_1614 = arith.constant 16 : i32
      %shift_left3A_1615 = vector.broadcast %shift_left3A_1614 : i32 to vector<16xi32>
      %shift_left3A_1616 = arith.shli %get3A_1605, %shift_left3A_1615 : vector<16xi32>
      %bitcast3A_1617 = vector.bitcast %shift_left3A_1616 : vector<16xi32> to vector<16xf32>
      %add3A_1618 = arith.addf %add3A_1594, %bitcast3A_1617 : vector<16xf32>
      %and3A_1619 = arith.andi %get3A_1605, %broadcast_in_dim3A_92 : vector<16xi32>
      %bitcast3A_1620 = vector.bitcast %and3A_1619 : vector<16xi32> to vector<16xf32>
      %add3A_1621 = arith.addf %add3A_1597, %bitcast3A_1620 : vector<16xf32>
      %add3A_1622 = arith.constant 29 : i32
      %add3A_1623 = arith.addi %mul3A_907, %add3A_1622 : i32
      %get3A_1624 = arith.index_cast %add3A_1623 : i32 to index
      %get3A_1625 = arith.constant 0 : index
      %get3A_1626 = tpu.vector_load %arg8[%get3A_1624, %get3A_1625] {strides = array<i32>} : memref<192x32xi32, #tpu.memory_space<vmem>>, vector<16xi32>,
      %get3A_1627 = arith.index_cast %add3A_1623 : i32 to index
      %get3A_1628 = arith.constant 16 : index
      %get3A_1629 = tpu.vector_load %arg8[%get3A_1627, %get3A_1628] {strides = array<i32>} : memref<192x32xi32, #tpu.memory_space<vmem>>, vector<16xi32>,
      %shift_left3A_1630 = arith.constant 16 : i32
      %shift_left3A_1631 = vector.broadcast %shift_left3A_1630 : i32 to vector<16xi32>
      %shift_left3A_1632 = arith.shli %get3A_1626, %shift_left3A_1631 : vector<16xi32>
      %bitcast3A_1633 = vector.bitcast %shift_left3A_1632 : vector<16xi32> to vector<16xf32>
      %add3A_1634 = arith.addf %add3A_1610, %bitcast3A_1633 : vector<16xf32>
      %and3A_1635 = arith.andi %get3A_1626, %broadcast_in_dim3A_92 : vector<16xi32>
      %bitcast3A_1636 = vector.bitcast %and3A_1635 : vector<16xi32> to vector<16xf32>
      %add3A_1637 = arith.addf %add3A_1613, %bitcast3A_1636 : vector<16xf32>
      %shift_left3A_1638 = arith.constant 16 : i32
      %shift_left3A_1639 = vector.broadcast %shift_left3A_1638 : i32 to vector<16xi32>
      %shift_left3A_1640 = arith.shli %get3A_1629, %shift_left3A_1639 : vector<16xi32>
      %bitcast3A_1641 = vector.bitcast %shift_left3A_1640 : vector<16xi32> to vector<16xf32>
      %add3A_1642 = arith.addf %add3A_1618, %bitcast3A_1641 : vector<16xf32>
      %and3A_1643 = arith.andi %get3A_1629, %broadcast_in_dim3A_92 : vector<16xi32>
      %bitcast3A_1644 = vector.bitcast %and3A_1643 : vector<16xi32> to vector<16xf32>
      %add3A_1645 = arith.addf %add3A_1621, %bitcast3A_1644 : vector<16xf32>
      %add3A_1646 = arith.constant 30 : i32
      %add3A_1647 = arith.addi %mul3A_907, %add3A_1646 : i32
      %get3A_1648 = arith.index_cast %add3A_1647 : i32 to index
      %get3A_1649 = arith.constant 0 : index
      %get3A_1650 = tpu.vector_load %arg8[%get3A_1648, %get3A_1649] {strides = array<i32>} : memref<192x32xi32, #tpu.memory_space<vmem>>, vector<16xi32>,
      %get3A_1651 = arith.index_cast %add3A_1647 : i32 to index
      %get3A_1652 = arith.constant 16 : index
      %get3A_1653 = tpu.vector_load %arg8[%get3A_1651, %get3A_1652] {strides = array<i32>} : memref<192x32xi32, #tpu.memory_space<vmem>>, vector<16xi32>,
      %shift_left3A_1654 = arith.constant 16 : i32
      %shift_left3A_1655 = vector.broadcast %shift_left3A_1654 : i32 to vector<16xi32>
      %shift_left3A_1656 = arith.shli %get3A_1650, %shift_left3A_1655 : vector<16xi32>
      %bitcast3A_1657 = vector.bitcast %shift_left3A_1656 : vector<16xi32> to vector<16xf32>
      %add3A_1658 = arith.addf %add3A_1634, %bitcast3A_1657 : vector<16xf32>
      %and3A_1659 = arith.andi %get3A_1650, %broadcast_in_dim3A_92 : vector<16xi32>
      %bitcast3A_1660 = vector.bitcast %and3A_1659 : vector<16xi32> to vector<16xf32>
      %add3A_1661 = arith.addf %add3A_1637, %bitcast3A_1660 : vector<16xf32>
      %shift_left3A_1662 = arith.constant 16 : i32
      %shift_left3A_1663 = vector.broadcast %shift_left3A_1662 : i32 to vector<16xi32>
      %shift_left3A_1664 = arith.shli %get3A_1653, %shift_left3A_1663 : vector<16xi32>
      %bitcast3A_1665 = vector.bitcast %shift_left3A_1664 : vector<16xi32> to vector<16xf32>
      %add3A_1666 = arith.addf %add3A_1642, %bitcast3A_1665 : vector<16xf32>
      %and3A_1667 = arith.andi %get3A_1653, %broadcast_in_dim3A_92 : vector<16xi32>
      %bitcast3A_1668 = vector.bitcast %and3A_1667 : vector<16xi32> to vector<16xf32>
      %add3A_1669 = arith.addf %add3A_1645, %bitcast3A_1668 : vector<16xf32>
      %add3A_1670 = arith.constant 31 : i32
      %add3A_1671 = arith.addi %mul3A_907, %add3A_1670 : i32
      %get3A_1672 = arith.index_cast %add3A_1671 : i32 to index
      %get3A_1673 = arith.constant 0 : index
      %get3A_1674 = tpu.vector_load %arg8[%get3A_1672, %get3A_1673] {strides = array<i32>} : memref<192x32xi32, #tpu.memory_space<vmem>>, vector<16xi32>,
      %get3A_1675 = arith.index_cast %add3A_1671 : i32 to index
      %get3A_1676 = arith.constant 16 : index
      %get3A_1677 = tpu.vector_load %arg8[%get3A_1675, %get3A_1676] {strides = array<i32>} : memref<192x32xi32, #tpu.memory_space<vmem>>, vector<16xi32>,
      %shift_left3A_1678 = arith.constant 16 : i32
      %shift_left3A_1679 = vector.broadcast %shift_left3A_1678 : i32 to vector<16xi32>
      %shift_left3A_1680 = arith.shli %get3A_1674, %shift_left3A_1679 : vector<16xi32>
      %bitcast3A_1681 = vector.bitcast %shift_left3A_1680 : vector<16xi32> to vector<16xf32>
      %add3A_1682 = arith.addf %add3A_1658, %bitcast3A_1681 : vector<16xf32>
      %and3A_1683 = arith.andi %get3A_1674, %broadcast_in_dim3A_92 : vector<16xi32>
      %bitcast3A_1684 = vector.bitcast %and3A_1683 : vector<16xi32> to vector<16xf32>
      %add3A_1685 = arith.addf %add3A_1661, %bitcast3A_1684 : vector<16xf32>
      %shift_left3A_1686 = arith.constant 16 : i32
      %shift_left3A_1687 = vector.broadcast %shift_left3A_1686 : i32 to vector<16xi32>
      %shift_left3A_1688 = arith.shli %get3A_1677, %shift_left3A_1687 : vector<16xi32>
      %bitcast3A_1689 = vector.bitcast %shift_left3A_1688 : vector<16xi32> to vector<16xf32>
      %add3A_1690 = arith.addf %add3A_1666, %bitcast3A_1689 : vector<16xf32>
      %and3A_1691 = arith.andi %get3A_1677, %broadcast_in_dim3A_92 : vector<16xi32>
      %bitcast3A_1692 = vector.bitcast %and3A_1691 : vector<16xi32> to vector<16xf32>
      %add3A_1693 = arith.addf %add3A_1669, %bitcast3A_1692 : vector<16xf32>
      %swap3A_1694 = arith.index_cast %scan3A_903 : i32 to index
      %swap3A_1695 = arith.constant 0 : index
      %swap3A_1696 = tpu.vector_load %arg9[%swap3A_1694, %swap3A_1695] {strides = array<i32>} : memref<128x64xf32, #tpu.memory_space<vmem>>, vector<16xf32>,
      tpu.vector_store %arg9[%swap3A_1694, %swap3A_1695], %add3A_1682 {strides = array<i32>} : memref<128x64xf32, #tpu.memory_space<vmem>>, vector<16xf32>,
      %swap3A_1697 = arith.index_cast %scan3A_903 : i32 to index
      %swap3A_1698 = arith.constant 16 : index
      %swap3A_1699 = tpu.vector_load %arg9[%swap3A_1697, %swap3A_1698] {strides = array<i32>} : memref<128x64xf32, #tpu.memory_space<vmem>>, vector<16xf32>,
      tpu.vector_store %arg9[%swap3A_1697, %swap3A_1698], %add3A_1685 {strides = array<i32>} : memref<128x64xf32, #tpu.memory_space<vmem>>, vector<16xf32>,
      %swap3A_1700 = arith.index_cast %scan3A_903 : i32 to index
      %swap3A_1701 = arith.constant 32 : index
      %swap3A_1702 = tpu.vector_load %arg9[%swap3A_1700, %swap3A_1701] {strides = array<i32>} : memref<128x64xf32, #tpu.memory_space<vmem>>, vector<16xf32>,
      tpu.vector_store %arg9[%swap3A_1700, %swap3A_1701], %add3A_1690 {strides = array<i32>} : memref<128x64xf32, #tpu.memory_space<vmem>>, vector<16xf32>,
      %swap3A_1703 = arith.index_cast %scan3A_903 : i32 to index
      %swap3A_1704 = arith.constant 48 : index
      %swap3A_1705 = tpu.vector_load %arg9[%swap3A_1703, %swap3A_1704] {strides = array<i32>} : memref<128x64xf32, #tpu.memory_space<vmem>>, vector<16xf32>,
      tpu.vector_store %arg9[%swap3A_1703, %swap3A_1704], %add3A_1693 {strides = array<i32>} : memref<128x64xf32, #tpu.memory_space<vmem>>, vector<16xf32>,
      %add3A_1706 = arith.constant 6 : i32
      %add3A_1707 = arith.addi %scan3A_903, %add3A_1706 : i32
      %lt3A_1708 = arith.constant 128 : i32
      %lt3A_1709 = arith.cmpi slt, %add3A_1707, %lt3A_1708 : i32
      %convert_element_type3A_1710 = arith.extui %lt3A_1709 : i1 to i32
      %cond3A_1711 = arith.constant 0 : i32
      %cond3A_1712 = arith.cmpi ne, %convert_element_type3A_1710, %cond3A_1711 : i32
      scf.if %cond3A_1712 {
        %add3A_1713 = arith.constant 6 : i32
        %add3A_1714 = arith.addi %scan3A_903, %add3A_1713 : i32
        %rem3A_1715 = arith.constant 6 : i32
        %rem3A_1716 = arith.remsi %add3A_1714, %rem3A_1715 : i32
        %mul3A_1717 = arith.constant 32 : i32
        %mul3A_1718 = arith.muli %rem3A_1716, %mul3A_1717 : i32
        %dma_start3A_1719 = arith.constant 0 : i32
        %dma_start3A_1720 = tpu.memref_slice %arg8[%mul3A_1718, %dma_start3A_1719] : memref<192x32xi32, #tpu.memory_space<vmem>> -> memref<32x32xi32, #tpu.memory_space<vmem>>
        %dma_start3A_1721 = arith.constant 0 : i32
        %dma_start3A_1722 = tpu.memref_slice %arg7[%add3A_1714, %dma_start3A_1721] : memref<128x32xi32, #tpu.memory_space<vmem>> -> memref<1x32xi32, #tpu.memory_space<vmem>>
        %dma_start3A_1723 = tpu.memref_squeeze %dma_start3A_1722 : memref<1x32xi32, #tpu.memory_space<vmem>> -> memref<32xi32, #tpu.memory_space<vmem>>
        %dma_start3A_1724 = arith.constant 0 : i32
        %dma_start3A_1725 = arith.constant 0 : i32
        %dma_start3A_1726 = tpu.memref_slice %arg10[%dma_start3A_1724, %dma_start3A_1725] : memref<1872x32xi32, #tpu.memory_space<vmem_shared>> -> memref<1872x32xi32, #tpu.memory_space<vmem_shared>>
        tpu.enqueue_indirect_dma source(%dma_start3A_1726 : memref<1872x32xi32, #tpu.memory_space<vmem_shared>>) target(%dma_start3A_1720 : memref<32x32xi32, #tpu.memory_space<vmem>>) offsets(%dma_start3A_1723 : memref<32xi32, #tpu.memory_space<vmem>>) semaphore(%arg12 : memref<!tpu.dma_semaphore, #tpu.memory_space<semaphore_mem>>)
      } else {
      }
    }
    %scan3A_97 = arith.constant 128 : i32
    "tpu.region"() ({
      %run_scoped3A = tpu.sem_alloc : memref<!tpu.dma_semaphore, #tpu.memory_space<semaphore_mem>>
      %dma_start3A_98 = arith.constant 0 : i32
      %dma_start3A_99 = tpu.memref_slice %arg5[%mul3A_2, %dma_start3A_98] : memref<4096x64xf32, #tpu.memory_space<hbm>> -> memref<128x64xf32, #tpu.memory_space<hbm>>
      %dma_start3A_100 = arith.constant 0 : i32
      %dma_start3A_101 = tpu.memref_slice %arg5[%mul3A_2, %dma_start3A_100] : memref<4096x64xf32, #tpu.memory_space<hbm>> -> memref<128x64xf32, #tpu.memory_space<hbm>>
      tpu.enqueue_dma source(%arg9 : memref<128x64xf32, #tpu.memory_space<vmem>>) target(%dma_start3A_101 : memref<128x64xf32, #tpu.memory_space<hbm>>) target_semaphore(%run_scoped3A : memref<!tpu.dma_semaphore, #tpu.memory_space<semaphore_mem>>)
      %dma_wait3A_102 = arith.constant 0 : i32
      %dma_wait3A_103 = tpu.memref_slice %arg5[%mul3A_2, %dma_wait3A_102] : memref<4096x64xf32, #tpu.memory_space<hbm>> -> memref<128x64xf32, #tpu.memory_space<hbm>>
      %dma_wait3A_104 = arith.constant 0 : i32
      %dma_wait3A_105 = tpu.memref_slice %arg5[%mul3A_2, %dma_wait3A_104] : memref<4096x64xf32, #tpu.memory_space<hbm>> -> memref<128x64xf32, #tpu.memory_space<hbm>>
      tpu.wait_dma2 semaphore(%run_scoped3A : memref<!tpu.dma_semaphore, #tpu.memory_space<semaphore_mem>>) src(%arg9 : memref<128x64xf32, #tpu.memory_space<vmem>>) dst(%dma_wait3A_105 : memref<128x64xf32, #tpu.memory_space<hbm>>)
      tpu.yield
    }) : () -> ()
    return
  }
}

</mosaic_0001>

<sc_bundles>
// kernel: _ucn_sc.3.cloned.1.call-start
scs
__scs_entry_jumppad:
0x0: {  	(pc) =	sbr.rel $0x88, $3  }
0x1: {  	(tag) =	ssettag $0x0;
	lr =	simm.s32 $0x1  }
0x2: {  	[smem:$0x3F9E] =	sst lr;
	_ =	strace $0xD0000000  }
0x3: {  	_ = 	snop  }
0x4: {  	_ = 	snop  }
0x5: {  	_ = 	snop  }
0x6: {  	_ = 	snop  }
0x7: {  	_ = 	snop  }
__scs_overlays_trampoline_lowered:
0x8: {  	[smem:$0x3FAD] =	sst s0  }
0x9: {  	[smem:$0x3FAE] =	sst s1  }
0xa: {  	[smem:$0x3FAF] =	sst s2  }
0xb: {  	[smem:$0x3FB0] =	sst s3  }
0xc: {  	[smem:$0x3FB1] =	sst s4  }
0xd: {  	[smem:$0x3FB2] =	sst s5  }
0xe: {  	[smem:$0x3FB3] =	sst s6  }
0xf: {  	[smem:$0x3FB4] =	sst s7  }
0x10: {  	[smem:$0x3FB5] =	sst s8  }
0x11: {  	[smem:$0x3FB6] =	sst s9;
	s0 =	simm.s32 @!p0 $0x0  }
0x12: {  	s1 =	sld [smem:$0x3F9C];
	s0 =	simm.s32 @p0 $0x1  }
0x13: {  	[smem:$0x3FB7] =	sst s0;
	s0 =	simm.s32 @!p1 $0x0  }
0x14: {  	s2 =	sld [smem:$0x3F9B];
	s0 =	simm.s32 @p1 $0x1  }
0x15: {  	[smem:$0x3FB8] =	sst s0;
	s0 =	simm.s32 @!p2 $0x0  }
0x16: {  	s3 =	sld [smem:$0x3FDB];
	s0 =	simm.s32 @p2 $0x1  }
0x17: {  	s4 =	simm.s32 $0x1BF5;
	[smem:$0x3FBA] =	sst s0  }
0x18: {  	s0 =	sld [smem:$0x3F9D];
	_ =	swait.ge [sflag:s4], $0x0  }
0x19: {  	s7 =	sld [smem:$0x3F9E]  }
0x1a: {  	s8 =	sadd.s32 $0xFFFFE003, lr  }
0x1b: {  	s9 =	sadd.s32 $0xFFFFFEF7, lr;
	s5 =	simm.s32 $0xFFFFFFFF;
	p2 =	slt.u32 s8, $0xFFFFF086  }
0x1c: {  	p1 =	slt.u32 s9, $0xF7A;
	s5 =	simm.s32 @!p2 $0x0  }
0x1d: {  	s5 =	simm.s32 @p1 $0x1;
	p0 =	seq.s32 s7, s2  }
0x1e: {  	s7 =	smul.u32 @!p0 $0xF7A, s2;
	p2 =	seq.s32 @!p0 s5, $0x0  }
0x1f: {  	s9 =	smul.u32 $0xF7A, s1;
	s8 =	simm.s32 @!p0 $0x1BF5;
	p2 =	por !p2, p0  }
0x20: {  	[sflag:s8] =	ssyncset.s32 @!p0 $0xFFFFF086;
	s6 =	sadd.s32 @!p0 s3, s7;
	s7 =	simm.s32 @!p0 $0x108  }
0x21: {  	s3 =	sadd.s32 s3, s9;
	s6 =	sadd.s32 @!p0 $0x88, s6;
	s7 =	simm.s32 @p2 $0x1082  }
0x22: {  	[simem:s7], [sflag:s8] =	dma.local @!p0 [hbm:s6], $0xF7A  }
0x23: {  	s9 =	sor.u32 $0xD0000000, s2;
	s6 =	simm.s32 $0x108;
	_ =	swait.ge @!p0 [sflag:s8], $0x0  }
0x24: {  	s3 =	sadd.s32 $0x88, s3;
	s6 =	simm.s32 @!p1 $0x1082;
	[sflag:s4] =	ssyncset.s32 $0xFFFFF086  }
0x25: {  	[simem:s6], [sflag:s4] =	dma.local [hbm:s3], $0xF7A  }
0x26: {  	[smem:$0x3F9E] =	sst s1;
	(tag) =	ssettag s2;
	_ =	strace s9  }
0x27: {  	s1 =	sld [smem:$0x3FAE]  }
0x28: {  	s2 =	sld [smem:$0x3FAF]  }
0x29: {  	s4 =	sld [smem:$0x3FB1]  }
0x2a: {  	p0 =	seq.s32 s5, $0x0;
	s5 =	sld [smem:$0x3FB2]  }
0x2b: {  	s6 =	sld [smem:$0x3FB3]  }
0x2c: {  	s7 =	sld [smem:$0x3FB4]  }
0x2d: {  	s3 =	simm.s32 $0x108;
	s8 =	sld [smem:$0x3FB5]  }
0x2e: {  	s3 =	simm.s32 @!p0 $0x1082;
	s9 =	sld [smem:$0x3FB6]  }
0x2f: {  	lr =	sadd.s32 s0, s3;
	s0 =	sld [smem:$0x3FAD]  }
0x30: {  	s3 =	sld [smem:$0x3FB0]  }
0x31: {  	[smem:$0x3FB9] =	sst s10  }
0x32: {  	s10 =	sld [smem:$0x3FB7];
	_ =	sdelay $0x3  }
0x33: {  	p0 =	seq.s32 s10, $0x1;
	s10 =	sld [smem:$0x3FB9];
	_ =	sdelay $0x3  }
0x34: {  	[smem:$0x3FB9] =	sst s10  }
0x35: {  	s10 =	sld [smem:$0x3FB8];
	_ =	sdelay $0x3  }
0x36: {  	p1 =	seq.s32 s10, $0x1;
	s10 =	sld [smem:$0x3FB9];
	_ =	sdelay $0x3  }
0x37: {  	[smem:$0x3FB9] =	sst s10  }
0x38: {  	s10 =	sld [smem:$0x3FBA]  }
0x39: {  	_ = 	snop;
	(pc) =	sbr.ind lr, $3  }
0x3a: {  	_ = 	snop  }
0x3b: {  	_ = 	snop  }
0x3c: {  	p2 =	seq.s32 s10, $0x1;
	s10 =	sld [smem:$0x3FB9]  }
0x3d: {  	_ =	shalt  }
0x3e: {  	_ =	shalt  }
0x3f: {  	_ =	shalt  }
0x40: {  	_ =	shalt  }
0x41: {  	_ =	shalt  }
0x42: {  	_ =	shalt  }
0x43: {  	_ =	shalt  }
0x44: {  	_ =	shalt  }
0x45: {  	_ =	shalt  }
0x46: {  	_ =	shalt  }
0x47: {  	_ =	shalt  }
0x48: {  	_ =	shalt  }
0x49: {  	_ =	shalt  }
0x4a: {  	_ =	shalt  }
0x4b: {  	_ =	shalt  }
0x4c: {  	_ =	shalt  }
0x4d: {  	_ =	shalt  }
0x4e: {  	_ =	shalt  }
0x4f: {  	_ =	shalt  }
0x50: {  	_ =	shalt  }
0x51: {  	_ =	shalt  }
0x52: {  	_ =	shalt  }
0x53: {  	_ =	shalt  }
0x54: {  	_ =	shalt  }
0x55: {  	_ =	shalt  }
0x56: {  	_ =	shalt  }
0x57: {  	_ =	shalt  }
0x58: {  	_ =	shalt  }
0x59: {  	_ =	shalt  }
0x5a: {  	_ =	shalt  }
0x5b: {  	_ =	shalt  }
0x5c: {  	_ =	shalt  }
0x5d: {  	_ =	shalt  }
0x5e: {  	_ =	shalt  }
0x5f: {  	_ =	shalt  }
0x60: {  	_ =	shalt  }
0x61: {  	_ =	shalt  }
0x62: {  	_ =	shalt  }
0x63: {  	_ =	shalt  }
0x64: {  	_ =	shalt  }
0x65: {  	_ =	shalt  }
0x66: {  	_ =	shalt  }
0x67: {  	_ =	shalt  }
0x68: {  	_ =	shalt  }
0x69: {  	_ =	shalt  }
0x6a: {  	_ =	shalt  }
0x6b: {  	_ =	shalt  }
0x6c: {  	_ =	shalt  }
0x6d: {  	_ =	shalt  }
0x6e: {  	_ =	shalt  }
0x6f: {  	_ =	shalt  }
0x70: {  	_ =	shalt  }
0x71: {  	_ =	shalt  }
0x72: {  	_ =	shalt  }
0x73: {  	_ =	shalt  }
0x74: {  	_ =	shalt  }
0x75: {  	_ =	shalt  }
0x76: {  	_ =	shalt  }
0x77: {  	_ =	shalt  }
0x78: {  	_ =	shalt  }
0x79: {  	_ =	shalt  }
0x7a: {  	_ =	shalt  }
0x7b: {  	_ =	shalt  }
0x7c: {  	_ =	shalt  }
0x7d: {  	_ =	shalt  }
0x7e: {  	_ =	shalt  }
0x7f: {  	_ =	shalt  }
0x80: {  	_ =	shalt  }
0x81: {  	_ =	shalt  }
0x82: {  	_ =	shalt  }
0x83: {  	_ =	shalt  }
0x84: {  	_ =	shalt  }
0x85: {  	_ =	shalt  }
0x86: {  	_ =	shalt  }
0x87: {  	_ =	shalt  }
.Lfunc_end0:
.L_simem_size_0:
called_computation_lowered:
.L_overlay_start_0:
0x88: {  	s2 =	sld [smem:$0x3FD9]  }
0x89: {  	s3 =	sld [smem:$0x3FFE];
	_ =	sdelay $0x1  }
0x8a: {  	s1 =	srdreg.scid  }
0x8b: {  	s0 =	sand.u32 $0x1, s1  }
0x8c: {  	s17 =	sshll.u32 s0, $0xA;
	s2 =	sadd.s32 s3, s2  }
0x8d: {  	s2 =	sadd.s32 s2, s17  }
0x8e: {  	[smem:$0x3FC5] =	sst s2  }
0x8f: {  	_ = 	snop  }
0x90: {  	s2 =	sld [smem:$0x3FC9]  }
0x91: {  	s18 =	sld [smem:$0x3FD0];
	(tm) =	ssettm $0x1  }
0x92: {  	s4 =	sld [smem:$0x3FFB];
	_ =	sdelay $0x3  }
0x93: {  	_ =	strace s4  }
0x94: {  	s4 =	sld [smem:$0x3FFC];
	_ =	sdelay $0x3  }
0x95: {  	_ =	strace s4  }
0x96: {  	s4 =	sld [smem:$0x3FFD];
	_ =	sdelay $0x3  }
0x97: {  	_ =	strace s4  }
0x98: {  	_ =	strace $0x8FFFFFFF  }
0x99: {  	s19 =	sld [smem:$0x3FDB];
	_ =	sdelay $0x1  }
0x9a: {  	s5 =	simm.s32 $_scs_section_size  }
0x9b: {  	s6 =	simm.s32 $_size__tile_overlayer_lowered;
	s7 =	simm.s32 $_tile_overlayer_lowered  }
0x9c: {  	s22 =	simm.s32 $0x1BFF;
	s21 =	sshll.u32 s7, $0x1;
	s4 =	sadd.s32 s5, s19  }
0x9d: {  	s8 =	simm.s32 $0x0;
	s20 =	sshll.u32 s6, $0x1;
	s6 =	sadd.s32 s21, s4  }
0x9e: {  	[timem:s8], [sflag:s22] =	dma.local [hbm:s6], s20  }
0x9f: {  	_ =	swait.ge [sflag:s22], s20  }
0xa0: {  	s5 =	ssub.s32 $0x0, s20;
	[sflag:s22] =	ssyncset.done $0x0  }
0xa1: {  	[sflag:s22] =	ssyncadd.s32 s5;
	_ =	sdelay $0x1  }
0xa2: {  	s23 =	simm.s32 $0x1B8B  }
0xa3: {  	_ =	swait.ge [sflag:s23], $0x1  }
0xa4: {  	[sflag:s23] =	ssyncset.done $0x0  }
0xa5: {  	s25 =	simm.s32 $0x1B8E;
	s24 =	sld [smem:$0x3FFE];
	[sflag:s23] =	ssyncadd.s32 $0xFFFFFFFF  }
0xa6: {  	s26 =	simm.s32 $execute0_lowered;
	[smem:$0x3FD2] =	sst s25  }
0xa7: {  	s6 =	sshll.u32 s26, $0x1;
	_ =	strace $0x80000046;
	[dreg:$0x1] =	wrdreg $0xFFFFFFFF  }
0xa8: {  	s28 =	simm.s32 $_size_execute0_lowered;
	s4 =	sadd.s32 s4, s6;
	[dreg:$0x0] =	wrdreg $0x0  }
0xa9: {  	s6 =	sshll.u32 s28, $0x1;
	[dreg:$0x2] =	wrdreg s4  }
0xaa: {  	[dreg:$0x3] =	wrdreg s6  }
0xab: {  	[dreg:$0x4] =	wrdreg $0xC0  }
0xac: {  	_ =	task [dreg:s8], $0x5FFFF  }
0xad: {  	[dreg:$0x1] =	wrdreg $0xFFFFFFFF  }
0xae: {  	[dreg:$0x0] =	wrdreg $0x60  }
0xaf: {  	[dreg:$0x2] =	wrdreg s2  }
0xb0: {  	[dreg:$0x3] =	wrdreg s24  }
0xb1: {  	[dreg:$0x4] =	wrdreg s18  }
0xb2: {  	[dreg:$0x5] =	wrdreg $0x48800  }
0xb3: {  	[dreg:$0x6] =	wrdreg $0x9  }
0xb4: {  	_ =	task.clear_ibuf [dreg:s8], $0x7FFFF;
	_ =	strace $0x90000046  }
0xb5: {  	s29 =	simm.s32 $0x9;
	_ =	strace $0x80000048  }
0xb6: {  	_ =	swait.ge [sflag:s29], $0x1  }
0xb7: {  	[sflag:s29] =	ssyncadd.s32 $0xFFFFFFFF  }
0xb8: {  	_ =	strace $0x90000048  }
0xb9: {  	_ =	sfence  }
0xba: {  	s30 =	sld [smem:$0x0];
	_ =	sdelay $0x2  }
0xbb: {  	s31 =	sshll.u32 s1, $0xD;
	s1 =	sshrl.u32 s1, $0x2  }
0xbc: {  	s3 =	sand.u32 $0x4000, s31;
	s1 =	sadd.s32 s1, s30  }
0xbd: {  	s0 =	sor.u32 s3, s0;
	s1 =	sshll.u32 s1, $0x11  }
0xbe: {  	s0 =	sor.u32 s1, s0  }
0xbf: {  	s0 =	sadd.s32 $0x8F2B, s0  }
0xc0: {  	[sflag:s0] =	ssyncadd.remote.s32 $0x1  }
0xc1: {  	_ =	sfence.sel $0xFFFF  }
0xc2: {  	[dreg:$0x0] =	wrdreg $0xFFFFFFFF;
	(pc) =	sbr.abs _section_cstart, $3  }
0xc3: {  	[dreg:$0x1] =	wrdreg $0xFFFFFFFF  }
0xc4: {  	_ =	task.clear_ibuf [dreg:s8], $0x2FFFF;
	_ =	strace $0x9FFFFFFF  }
0xc5: {  	(tm) =	ssettm $0x7FFFFFFF  }
tec
execute0_lowered:
.L_overlay_start_1:
0x0: {  	(tag) =	ssettag $0x1  }
0x1: {  	s0 =	rddreg [dreg:$0x0]  }
0x2: {  	s4 =	rddreg [dreg:$0x1]  }
0x3: {  	s6 =	rddreg [dreg:$0x2]  }
0x4: {  	s1 =	rddreg [dreg:$0x3];
	s2 =	simm.s32 $0x0;
	s3 =	srdreg.scid  }
0x5: {  	s8 =	stileid.u32;
	s11 =	simm.s32 $0x1;
	s12 =	simm.s32 $0x20  }
0x6: {  	s17 =	simm.s32 $0x1880;
	s18 =	simm.s32 $0xE0;
	s19 =	simm.s32 $0x1C80  }
0x7: {  	s20 =	simm.s32 $0x100;
	s21 =	simm.s32 $0x2080;
	s22 =	simm.s32 $0x120  }
0x8: {  	s23 =	simm.s32 $0x2480;
	s24 =	simm.s32 $0x2;
	s25 =	simm.s32 $0x2880  }
0x9: {  	s26 =	simm.s32 $0x0;
	[smem:$0x7FF] =	sst s2;
	s5 =	sand.u32 $0x1, s3  }
0xa: {  	s3 =	sadd.s32 $0x2400, s4;
	s7 =	sshll.u32 s8, $0x8;
	s4 =	sadd.s32 $0x600, s4  }
0xb: {  	p0 =	sne.s32 s8, $0x0;
	s8 =	simm.s32 $0x3;
	s9 =	sshll.u32 s5, $0x7  }
0xc: {  	_ =	strace $0x80000047;
	s5 =	ssub.s32 $0x2, s5;
	s7 =	sor.u32 s9, s7  }
0xd: {  	s31 =	sshrl.u32 s5, $0x1;
	s10 =	sshrl.u32 s7, $0x3;
	s7 =	sshll.u32 s7, $0x3  }
0xe: {  	s9 =	ssub.s32 s5, s31;
	s5 =	sadd.s32 s0, s10;
	s6 =	sadd.s32 s6, s7  }
0xf: {  	s7 =	smax.u32 s9, $0x1;
	s9 =	simm.s32 $0x80;
	s10 =	sshrl.u32 @!p0 s1, $0x3  }
.LBB2_1:
0x10: {  	[tilespmem:s2], [sflag:$0x3] =	stream.linear.gather [hbm4b:s5+s2], $0x80, $0x38;
	[tilespmem:$0x5720] =	vst v63  }
0x11: {  	_ =	swait.ge [sflag:s8], $0x80  }
0x12: {  	[sflag:s8] =	ssyncset.done $0x0  }
0x13: {  	s0 =	simm.s32 @!p0 $0x1C03;
	[sflag:s8] =	ssyncadd.s32 $0xFFFFFF80  }
0x14: {  	[tilespmem:s9], [sflag:$0x1] =	stream.indirect.gather [hbm4b:s3+s9], $0x20, s2, s9, $0xb8;
	[tilespmem:$0x5720] =	vst v63  }
0x15: {  	[spmem:s10], [sflag:s0] =	dma.local @!p0 [hbm:s4], $0x1D40  }
0x16: {  	s0 =	simm.s32 @!p0 $0x3  }
0x17: {  	_ =	swait.ge @!p0 [sflag:s0], $0x1D40  }
0x18: {  	[sflag:s0] =	ssyncset.done @!p0 $0x0  }
0x19: {  	[sflag:s0] =	ssyncadd.s32 @!p0 $0xFFFFE2C0  }
0x1a: {  	[bflag:$0x0] =	sbarrier.arrive $0xFFFF  }
0x1b: {  	_ =	swait.ge [sflag:s11], $0x1000  }
0x1c: {  	[sflag:s11] =	ssyncset.done $0x0  }
0x1d: {  	s15 =	simm.s32 $0x1080;
	[sflag:s11] =	ssyncadd.s32 $0xFFFFF000  }
0x1e: {  	[tilespmem:s15], [sflag:$0x2] =	stream.indirect.gather [spmem:s1], $0x20, s9, s12, $0xb8;
	[tilespmem:$0x5720] =	vst v63  }
0x1f: {  	s16 =	simm.s32 $0xA0;
	s13 =	simm.s32 $0x1480  }
0x20: {  	[tilespmem:s13], [sflag:$0x2] =	stream.indirect.gather [spmem:s1], $0x20, s16, s12, $0xb8;
	[tilespmem:$0x5720] =	vst v63  }
0x21: {  	s31 =	simm.s32 $0xC0  }
0x22: {  	[tilespmem:s17], [sflag:$0x2] =	stream.indirect.gather [spmem:s1], $0x20, s31, s12, $0xb8;
	[tilespmem:$0x5720] =	vst v63  }
0x23: {  	_ = 	snop  }
0x24: {  	[tilespmem:s19], [sflag:$0x2] =	stream.indirect.gather [spmem:s1], $0x20, s18, s12, $0xb8;
	[tilespmem:$0x5720] =	vst v63  }
0x25: {  	_ = 	snop  }
0x26: {  	[tilespmem:s21], [sflag:$0x2] =	stream.indirect.gather [spmem:s1], $0x20, s20, s12, $0xb8;
	[tilespmem:$0x5720] =	vst v63  }
0x27: {  	s28 =	simm.s32 $0x7;
	s29 =	simm.s32 $0x160;
	s30 =	simm.s32 $0x28C0  }
0x28: {  	[tilespmem:s23], [sflag:$0x2] =	stream.indirect.gather [spmem:s1], $0x20, s22, s12, $0xb8;
	[tilespmem:$0x5720] =	vst v63  }
.LBB2_2:
0x29: {  	s31 =	sadd.s32 $0xFFFFFFF9, s28  }
0x2a: {  	s0 =	smul.u32 $0xAB, s31;
	_ =	sdelay $0x1  }
0x2b: {  	s0 =	sshrl.u32 s0, $0xA  }
0x2c: {  	s0 =	sand.u32 $0x3F, s0  }
0x2d: {  	s0 =	smul.u32 $0x6, s0;
	_ =	sdelay $0x1  }
0x2e: {  	_ =	swait.ge [sflag:s24], $0x400;
	s0 =	ssub.s32 s31, s0  }
0x2f: {  	[sflag:s24] =	ssyncset.done $0x0;
	s0 =	sand.u32 $0xFF, s0  }
0x30: {  	[sflag:s24] =	ssyncadd.s32 $0xFFFFFC00;
	s0 =	sshll.u32 s0, $0xA  }
0x31: {  	v0 =	vld [tilespmem:s0+$0x1080]  }
0x32: {  	v1 =	vld [tilespmem:s0+$0x1090]  }
0x33: {  	v2 =	vld [tilespmem:s0+$0x10A0]  }
0x34: {  	v3 =	vld [tilespmem:s0+$0x10B0]  }
0x35: {  	v5 =	vld [tilespmem:s0+$0x10C0]  }
0x36: {  	v7 =	vld [tilespmem:s0+$0x10D0]  }
0x37: {  	v9 =	vld [tilespmem:s0+$0x10E0]  }
0x38: {  	v45 =	vld [tilespmem:s0+$0x10F0]  }
0x39: {  	v49 =	vld [tilespmem:s0+$0x1100]  }
0x3a: {  	v52 =	vld [tilespmem:s0+$0x1110]  }
0x3b: {  	v54 =	vld [tilespmem:s0+$0x1120]  }
0x3c: {  	v58 =	vld [tilespmem:s0+$0x1130]  }
0x3d: {  	v60 =	vld [tilespmem:s0+$0x1140];
	v4 =	vshll.u32 v0, $0x10  }
0x3e: {  	v62 =	vld [tilespmem:s0+$0x1150];
	v0 =	vand.u32 $0xFFFF0000, v0;
	v6 =	vshll.u32 v1, $0x10;
	v1 =	vand.u32 $0xFFFF0000, v1  }
0x3f: {  	v12 =	vld [tilespmem:s0+$0x1160];
	v8 =	vshll.u32 v2, $0x10;
	v2 =	vand.u32 $0xFFFF0000, v2;
	v44 =	vshll.u32 v3, $0x10  }
0x40: {  	v15 =	vld [tilespmem:s0+$0x1170];
	v3 =	vand.u32 $0xFFFF0000, v3;
	v46 =	vshll.u32 v5, $0x10;
	v48 =	vand.u32 $0xFFFF0000, v5  }
0x41: {  	v17 =	vld [tilespmem:s0+$0x1180];
	v50 =	vshll.u32 v7, $0x10;
	v51 =	vand.u32 $0xFFFF0000, v7;
	v53 =	vshll.u32 v9, $0x10  }
0x42: {  	v21 =	vld [tilespmem:s0+$0x1190];
	v55 =	vand.u32 $0xFFFF0000, v9;
	v56 =	vshll.u32 v45, $0x10;
	v57 =	vand.u32 $0xFFFF0000, v45  }
0x43: {  	v23 =	vld [tilespmem:s0+$0x11A0];
	v59 =	vshll.u32 v49, $0x10;
	v5 =	vand.u32 $0xFFFF0000, v49;
	v61 =	vshll.u32 v52, $0x10  }
0x44: {  	v25 =	vld [tilespmem:s0+$0x11B0];
	v63 =	vand.u32 $0xFFFF0000, v52;
	v10 =	vshll.u32 v54, $0x10;
	v11 =	vand.u32 $0xFFFF0000, v54  }
0x45: {  	v29 =	vld [tilespmem:s0+$0x11C0];
	v13 =	vshll.u32 v58, $0x10;
	v14 =	vand.u32 $0xFFFF0000, v58;
	v16 =	vshll.u32 v60, $0x10  }
0x46: {  	v31 =	vld [tilespmem:s0+$0x11D0];
	v18 =	vand.u32 $0xFFFF0000, v60;
	v19 =	vshll.u32 v62, $0x10;
	v20 =	vand.u32 $0xFFFF0000, v62  }
0x47: {  	v22 =	vshll.u32 v12, $0x10;
	v24 =	vshll.u32 v15, $0x10;
	v26 =	vand.u32 $0xFFFF0000, v15  }
0x48: {  	v33 =	vld [tilespmem:s0+$0x11E0];
	v27 =	vshll.u32 v17, $0x10;
	v28 =	vand.u32 $0xFFFF0000, v17;
	v30 =	vshll.u32 v21, $0x10  }
0x49: {  	v41 =	vld [tilespmem:s0+$0x1210];
	v32 =	vshll.u32 v23, $0x10;
	v34 =	vand.u32 $0xFFFF0000, v23;
	v35 =	vshll.u32 v25, $0x10  }
0x4a: {  	v36 =	vand.u32 $0xFFFF0000, v25;
	v38 =	vshll.u32 v29, $0x10;
	v7 =	vand.u32 $0xFFFF0000, v29  }
0x4b: {  	v37 =	vld [tilespmem:s0+$0x11F0];
	v40 =	vshll.u32 v31, $0x10;
	v4 =	vadd.f32 $0.0e+00, v4;
	v0 =	vadd.f32 $0.0e+00, v0  }
0x4c: {  	v39 =	vld [tilespmem:s0+$0x1200];
	v42 =	vand.u32 $0xFFFF0000, v31;
	v6 =	vadd.f32 $0.0e+00, v6;
	v1 =	vadd.f32 $0.0e+00, v1  }
0x4d: {  	v43 =	vshll.u32 v33, $0x10;
	v4 =	vadd.f32 v8, v4;
	v0 =	vadd.f32 v2, v0  }
0x4e: {  	v45 =	vld [tilespmem:s0+$0x1220];
	v52 =	vand.u32 $0xFFFF0000, v41;
	v2 =	vadd.f32 v44, v6;
	v1 =	vadd.f32 v3, v1  }
0x4f: {  	v49 =	vld [tilespmem:s0+$0x1240];
	v6 =	vand.u32 $0xFFFF0000, v12;
	v47 =	vadd.f32 v46, v4;
	v0 =	vadd.f32 v48, v0  }
0x50: {  	v29 =	vld [tilespmem:s0+$0x1300];
	v44 =	vand.u32 $0xFFFF0000, v33;
	v2 =	vadd.f32 v50, v2;
	v1 =	vadd.f32 v51, v1  }
0x51: {  	v46 =	vshll.u32 v37, $0x10;
	v48 =	vshll.u32 v39, $0x10;
	v50 =	vand.u32 $0xFFFF0000, v39  }
0x52: {  	v51 =	vshll.u32 v41, $0x10;
	v3 =	vadd.f32 v53, v47;
	v0 =	vadd.f32 v55, v0;
	v47 =	vld [tilespmem:s0+$0x1230]  }
0x53: {  	v54 =	vshll.u32 v45, $0x10;
	v2 =	vadd.f32 v56, v2;
	v1 =	vadd.f32 v57, v1;
	v53 =	vld [tilespmem:s0+$0x1250]  }
0x54: {  	v60 =	vand.u32 $0xFFFF0000, v49;
	v55 =	vld [tilespmem:s0+$0x1260];
	v3 =	vadd.f32 v59, v3;
	v0 =	vadd.f32 v5, v0  }
0x55: {  	v39 =	vshll.u32 v29, $0x10;
	v57 =	vld [tilespmem:s0+$0x1270];
	v2 =	vadd.f32 v61, v2;
	v1 =	vadd.f32 v63, v1  }
0x56: {  	v5 =	vand.u32 $0xFFFF0000, v21;
	v61 =	vld [tilespmem:s0+$0x1280];
	v3 =	vadd.f32 v10, v3;
	v0 =	vadd.f32 v11, v0  }
0x57: {  	v59 =	vshll.u32 v49, $0x10;
	v63 =	vld [tilespmem:s0+$0x1290];
	v2 =	vadd.f32 v13, v2;
	v1 =	vadd.f32 v14, v1  }
0x58: {  	v21 =	vld [tilespmem:s0+$0x12D0];
	v56 =	vshll.u32 v47, $0x10;
	v58 =	vand.u32 $0xFFFF0000, v47;
	v62 =	vshll.u32 v53, $0x10  }
0x59: {  	v17 =	vld [tilespmem:s0+$0x12B0];
	v12 =	vshll.u32 v55, $0x10;
	v14 =	vand.u32 $0xFFFF0000, v55;
	v3 =	vadd.f32 v16, v3  }
0x5a: {  	v13 =	vld [tilespmem:s0+$0x12A0];
	v15 =	vshll.u32 v57, $0x10;
	v0 =	vadd.f32 v18, v0;
	v2 =	vadd.f32 v19, v2  }
0x5b: {  	v1 =	vadd.f32 v20, v1;
	v16 =	vand.u32 $0xFFFF0000, v57;
	v18 =	vshll.u32 v61, $0x10  }
0x5c: {  	v19 =	vld [tilespmem:s0+$0x12C0];
	v20 =	vshll.u32 v63, $0x10;
	v3 =	vadd.f32 v22, v3;
	v0 =	vadd.f32 v6, v0  }
0x5d: {  	v31 =	vshll.u32 v21, $0x10;
	v2 =	vadd.f32 v24, v2;
	v1 =	vadd.f32 v26, v1  }
0x5e: {  	v25 =	vld [tilespmem:s0+$0x12E0];
	v6 =	vand.u32 $0xFFFF0000, v37;
	v22 =	vand.u32 $0xFFFF0000, v63;
	v26 =	vshll.u32 v17, $0x10  }
0x5f: {  	v37 =	vld [tilespmem:s0+$0x1330];
	v23 =	vshll.u32 v13, $0x10;
	v3 =	vadd.f32 v27, v3;
	v0 =	vadd.f32 v28, v0  }
0x60: {  	v33 =	vld [tilespmem:s0+$0x1310];
	v24 =	vand.u32 $0xFFFF0000, v13;
	v2 =	vadd.f32 v30, v2;
	v1 =	vadd.f32 v5, v1  }
0x61: {  	v5 =	vand.u32 $0xFFFF0000, v45;
	v27 =	vld [tilespmem:s0+$0x12F0];
	v28 =	vshll.u32 v19, $0x10;
	v3 =	vadd.f32 v32, v3  }
0x62: {  	v30 =	vand.u32 $0xFFFF0000, v19;
	v0 =	vadd.f32 v34, v0;
	v2 =	vadd.f32 v35, v2  }
0x63: {  	v45 =	vld [tilespmem:s0+$0x1360];
	v1 =	vadd.f32 v36, v1;
	v32 =	vand.u32 $0xFFFF0000, v21;
	v34 =	vshll.u32 v25, $0x10  }
0x64: {  	v35 =	vld [tilespmem:s0+$0x1320];
	v47 =	vshll.u32 v37, $0x10;
	v3 =	vadd.f32 v38, v3;
	v0 =	vadd.f32 v7, v0  }
0x65: {  	v2 =	vadd.f32 v40, v2;
	v1 =	vadd.f32 v42, v1;
	v7 =	vand.u32 $0xFFFF0000, v53  }
0x66: {  	v41 =	vld [tilespmem:s0+$0x1340];
	v40 =	vand.u32 $0xFFFF0000, v29;
	v42 =	vshll.u32 v33, $0x10;
	v36 =	vshll.u32 v27, $0x10  }
0x67: {  	v53 =	vld [tilespmem:s0+$0x1390];
	v38 =	vand.u32 $0xFFFF0000, v27;
	v3 =	vadd.f32 v43, v3;
	v0 =	vadd.f32 v44, v0  }
0x68: {  	v29 =	vld [tilespmem:s0+$0x1430];
	v55 =	vshll.u32 v45, $0x10;
	v2 =	vadd.f32 v46, v2;
	v1 =	vadd.f32 v6, v1  }
0x69: {  	v49 =	vld [tilespmem:s0+$0x1370];
	v6 =	vand.u32 $0xFFFF0000, v61;
	v44 =	vshll.u32 v35, $0x10;
	v3 =	vadd.f32 v48, v3  }
0x6a: {  	v10 =	vld [tilespmem:s0+$0x1460];
	v46 =	vand.u32 $0xFFFF0000, v35;
	v0 =	vadd.f32 v50, v0;
	v2 =	vadd.f32 v51, v2  }
0x6b: {  	v43 =	vld [tilespmem:s0+$0x1350];
	v1 =	vadd.f32 v52, v1;
	v48 =	vand.u32 $0xFFFF0000, v37;
	v50 =	vshll.u32 v41, $0x10  }
0x6c: {  	v63 =	vshll.u32 v53, $0x10;
	v3 =	vadd.f32 v54, v3;
	v0 =	vadd.f32 v5, v0  }
0x6d: {  	v61 =	vld [tilespmem:s0+$0x13C0];
	v37 =	vshll.u32 v29, $0x10;
	v2 =	vadd.f32 v56, v2;
	v1 =	vadd.f32 v58, v1  }
0x6e: {  	v5 =	vand.u32 $0xFFFF0000, v17;
	v56 =	vand.u32 $0xFFFF0000, v45;
	v3 =	vadd.f32 v59, v3  }
0x6f: {  	v58 =	vshll.u32 v49, $0x10;
	v45 =	vand.u32 $0xFFFF0000, v10;
	v0 =	vadd.f32 v60, v0  }
0x70: {  	v51 =	vld [tilespmem:s0+$0x1380];
	v52 =	vshll.u32 v43, $0x10;
	v2 =	vadd.f32 v62, v2;
	v3 =	vadd.f32 v12, v3  }
0x71: {  	v54 =	vand.u32 $0xFFFF0000, v43;
	v1 =	vadd.f32 v7, v1;
	v0 =	vadd.f32 v14, v0  }
0x72: {  	v19 =	vshll.u32 v61, $0x10;
	v2 =	vadd.f32 v15, v2;
	v3 =	vadd.f32 v18, v3  }
0x73: {  	v57 =	vld [tilespmem:s0+$0x13A0];
	v43 =	vshll.u32 v10, $0x10;
	v1 =	vadd.f32 v16, v1;
	v0 =	vadd.f32 v6, v0  }
0x74: {  	v17 =	vld [tilespmem:s0+$0x13F0];
	v7 =	vand.u32 $0xFFFF0000, v25;
	v2 =	vadd.f32 v20, v2;
	v3 =	vadd.f32 v23, v3  }
0x75: {  	v60 =	vshll.u32 v51, $0x10;
	v1 =	vadd.f32 v22, v1;
	v0 =	vadd.f32 v24, v0  }
0x76: {  	v62 =	vand.u32 $0xFFFF0000, v51;
	v2 =	vadd.f32 v26, v2;
	v3 =	vadd.f32 v28, v3  }
0x77: {  	v13 =	vld [tilespmem:s0+$0x13D0];
	v12 =	vand.u32 $0xFFFF0000, v53;
	v1 =	vadd.f32 v5, v1;
	v0 =	vadd.f32 v30, v0  }
0x78: {  	v59 =	vld [tilespmem:s0+$0x13B0];
	v14 =	vshll.u32 v57, $0x10;
	v2 =	vadd.f32 v31, v2;
	v3 =	vadd.f32 v34, v3  }
0x79: {  	v27 =	vshll.u32 v17, $0x10;
	v1 =	vadd.f32 v32, v1;
	v0 =	vadd.f32 v7, v0  }
0x7a: {  	v6 =	vand.u32 $0xFFFF0000, v33;
	v2 =	vadd.f32 v36, v2;
	v3 =	vadd.f32 v39, v3  }
0x7b: {  	v25 =	vld [tilespmem:s0+$0x1420];
	v20 =	vand.u32 $0xFFFF0000, v61;
	v1 =	vadd.f32 v38, v1;
	v0 =	vadd.f32 v40, v0  }
0x7c: {  	v15 =	vld [tilespmem:s0+$0x13E0];
	v22 =	vshll.u32 v13, $0x10;
	v2 =	vadd.f32 v42, v2;
	v3 =	vadd.f32 v44, v3  }
0x7d: {  	v16 =	vshll.u32 v59, $0x10;
	v1 =	vadd.f32 v6, v1;
	v0 =	vadd.f32 v46, v0  }
0x7e: {  	v5 =	vand.u32 $0xFFFF0000, v41;
	v2 =	vadd.f32 v47, v2;
	v3 =	vadd.f32 v50, v3  }
0x7f: {  	v18 =	vand.u32 $0xFFFF0000, v59;
	v1 =	vadd.f32 v48, v1;
	v0 =	vadd.f32 v5, v0  }
0x80: {  	v35 =	vshll.u32 v25, $0x10;
	v2 =	vadd.f32 v52, v2;
	v3 =	vadd.f32 v55, v3  }
0x81: {  	v21 =	vld [tilespmem:s0+$0x1400];
	v24 =	vshll.u32 v15, $0x10;
	v1 =	vadd.f32 v54, v1;
	v0 =	vadd.f32 v56, v0  }
0x82: {  	v7 =	vand.u32 $0xFFFF0000, v49;
	v2 =	vadd.f32 v58, v2;
	v3 =	vadd.f32 v60, v3  }
0x83: {  	v26 =	vand.u32 $0xFFFF0000, v15;
	v1 =	vadd.f32 v7, v1;
	v0 =	vadd.f32 v62, v0  }
0x84: {  	v6 =	vand.u32 $0xFFFF0000, v57;
	v2 =	vadd.f32 v63, v2;
	v3 =	vadd.f32 v14, v3  }
0x85: {  	v28 =	vand.u32 $0xFFFF0000, v17;
	v1 =	vadd.f32 v12, v1;
	v0 =	vadd.f32 v6, v0  }
0x86: {  	v23 =	vld [tilespmem:s0+$0x1410];
	v30 =	vshll.u32 v21, $0x10;
	v2 =	vadd.f32 v16, v2;
	v3 =	vadd.f32 v19, v3  }
0x87: {  	v36 =	vand.u32 $0xFFFF0000, v25;
	v1 =	vadd.f32 v18, v1;
	v0 =	vadd.f32 v20, v0  }
0x88: {  	v31 =	vld [tilespmem:s0+$0x1440];
	v5 =	vand.u32 $0xFFFF0000, v13;
	v2 =	vadd.f32 v22, v2;
	v3 =	vadd.f32 v24, v3  }
0x89: {  	v38 =	vand.u32 $0xFFFF0000, v29;
	v1 =	vadd.f32 v5, v1;
	v0 =	vadd.f32 v26, v0  }
0x8a: {  	p1 =	sgt.u32 s31, $0x79;
	v33 =	vld [tilespmem:s0+$0x1450];
	v7 =	vand.u32 $0xFFFF0000, v21;
	v2 =	vadd.f32 v27, v2;
	v3 =	vadd.f32 v30, v3  }
0x8b: {  	s13 =	sadd.s32 @!p1 $0xFFFFFFFF, s28;
	v32 =	vshll.u32 v23, $0x10;
	v1 =	vadd.f32 v28, v1;
	v0 =	vadd.f32 v7, v0  }
0x8c: {  	s14 =	smul.u32 @!p1 $0xAB, s13;
	v34 =	vand.u32 $0xFFFF0000, v23;
	v39 =	vld [tilespmem:s0+$0x1470];
	v2 =	vadd.f32 v32, v2;
	v3 =	vadd.f32 v35, v3  }
0x8d: {  	v40 =	vshll.u32 v31, $0x10;
	v1 =	vadd.f32 v34, v1;
	v0 =	vadd.f32 v36, v0  }
0x8e: {  	s0 =	sshrl.u32 @!p1 s14, $0xA;
	v41 =	vand.u32 $0xFFFF0000, v31;
	v2 =	vadd.f32 v37, v2;
	v3 =	vadd.f32 v40, v3  }
0x8f: {  	v42 =	vshll.u32 v33, $0x10;
	s0 =	sand.u32 @!p1 $0x3F, s0;
	v1 =	vadd.f32 v38, v1;
	v0 =	vadd.f32 v41, v0  }
0x90: {  	s14 =	sadd.s32 $0xFFFFFFFA, s28;
	s0 =	smul.u32 @!p1 $0x6, s0;
	v44 =	vand.u32 $0xFFFF0000, v33;
	v2 =	vadd.f32 v42, v2;
	v3 =	vadd.f32 v43, v3  }
0x91: {  	s15 =	smul.u32 $0xAB, s14;
	v46 =	vshll.u32 v39, $0x10;
	v1 =	vadd.f32 v44, v1;
	v0 =	vadd.f32 v45, v0  }
0x92: {  	s0 =	ssub.s32 @!p1 s13, s0;
	v47 =	vand.u32 $0xFFFF0000, v39;
	v2 =	vadd.f32 v46, v2;
	[tilespmem:s30+$0xFFFFFFC0] =	vst v3  }
0x93: {  	s13 =	sshrl.u32 s15, $0xA;
	s0 =	sand.u32 @!p1 $0xFF, s0;
	v1 =	vadd.f32 v47, v1;
	[tilespmem:s30+$0xFFFFFFD0] =	vst v0  }
0x94: {  	s16 =	simm.s32 @!p1 $0x20;
	s13 =	sand.u32 $0x3F, s13;
	s0 =	sshll.u32 @!p1 s0, $0xA;
	[tilespmem:s30+$0xFFFFFFE0] =	vst v2  }
0x95: {  	s15 =	sadd.s32 @!p1 $0xFFFFFFE0, s29;
	s13 =	smul.u32 $0x6, s13;
	s0 =	sadd.s32 @!p1 $0x1080, s0;
	[tilespmem:s30+$0xFFFFFFF0] =	vst v1  }
0x96: {  	[tilespmem:s0], [sflag:$0x2] =	stream.indirect.gather @!p1 [spmem:s1], $0x20, s15, s16, $0xb8;
	[tilespmem:$0x5720] =	vst v63  }
0x97: {  	s16 =	ssub.s32 s14, s13;
	_ =	swait.ge [sflag:s24], $0x400  }
0x98: {  	s0 =	sand.u32 $0xFF, s16;
	[sflag:s24] =	ssyncset.done $0x0  }
0x99: {  	s0 =	sshll.u32 s0, $0xA;
	[sflag:s24] =	ssyncadd.s32 $0xFFFFFC00  }
0x9a: {  	v48 =	vld [tilespmem:s0+$0x1080]  }
0x9b: {  	v49 =	vld [tilespmem:s0+$0x1090]  }
0x9c: {  	v50 =	vld [tilespmem:s0+$0x10A0]  }
0x9d: {  	v51 =	vld [tilespmem:s0+$0x10B0]  }
0x9e: {  	v53 =	vld [tilespmem:s0+$0x10C0]  }
0x9f: {  	v55 =	vld [tilespmem:s0+$0x10D0]  }
0xa0: {  	v57 =	vld [tilespmem:s0+$0x10E0]  }
0xa1: {  	v59 =	vld [tilespmem:s0+$0x10F0]  }
0xa2: {  	v63 =	vld [tilespmem:s0+$0x1100]  }
0xa3: {  	v14 =	vld [tilespmem:s0+$0x1110]  }
0xa4: {  	v16 =	vld [tilespmem:s0+$0x1120]  }
0xa5: {  	v20 =	vld [tilespmem:s0+$0x1130]  }
0xa6: {  	v22 =	vld [tilespmem:s0+$0x1140];
	v52 =	vshll.u32 v48, $0x10  }
0xa7: {  	v24 =	vld [tilespmem:s0+$0x1150];
	v0 =	vand.u32 $0xFFFF0000, v48;
	v54 =	vshll.u32 v49, $0x10;
	v1 =	vand.u32 $0xFFFF0000, v49  }
0xa8: {  	v28 =	vld [tilespmem:s0+$0x1160];
	v56 =	vshll.u32 v50, $0x10;
	v2 =	vand.u32 $0xFFFF0000, v50;
	v58 =	vshll.u32 v51, $0x10  }
0xa9: {  	v31 =	vld [tilespmem:s0+$0x1170];
	v3 =	vand.u32 $0xFFFF0000, v51;
	v60 =	vshll.u32 v53, $0x10;
	v62 =	vand.u32 $0xFFFF0000, v53  }
0xaa: {  	v33 =	vld [tilespmem:s0+$0x1180];
	v12 =	vshll.u32 v55, $0x10;
	v13 =	vand.u32 $0xFFFF0000, v55;
	v15 =	vshll.u32 v57, $0x10  }
0xab: {  	v37 =	vld [tilespmem:s0+$0x1190];
	v17 =	vand.u32 $0xFFFF0000, v57;
	v18 =	vshll.u32 v59, $0x10;
	v19 =	vand.u32 $0xFFFF0000, v59  }
0xac: {  	v39 =	vld [tilespmem:s0+$0x11A0];
	v21 =	vshll.u32 v63, $0x10;
	v5 =	vand.u32 $0xFFFF0000, v63;
	v23 =	vshll.u32 v14, $0x10  }
0xad: {  	v41 =	vld [tilespmem:s0+$0x11B0];
	v25 =	vand.u32 $0xFFFF0000, v14;
	v26 =	vshll.u32 v16, $0x10;
	v27 =	vand.u32 $0xFFFF0000, v16  }
0xae: {  	v45 =	vld [tilespmem:s0+$0x11C0];
	v29 =	vshll.u32 v20, $0x10;
	v30 =	vand.u32 $0xFFFF0000, v20;
	v32 =	vshll.u32 v22, $0x10  }
0xaf: {  	v34 =	vand.u32 $0xFFFF0000, v22;
	v35 =	vshll.u32 v24, $0x10;
	v36 =	vand.u32 $0xFFFF0000, v24  }
0xb0: {  	v38 =	vshll.u32 v28, $0x10;
	v40 =	vshll.u32 v31, $0x10;
	v42 =	vand.u32 $0xFFFF0000, v31  }
0xb1: {  	v47 =	vld [tilespmem:s0+$0x11D0];
	v43 =	vshll.u32 v33, $0x10;
	v44 =	vand.u32 $0xFFFF0000, v33;
	v46 =	vshll.u32 v37, $0x10  }
0xb2: {  	v48 =	vshll.u32 v39, $0x10;
	v49 =	vld [tilespmem:s0+$0x11E0];
	v50 =	vand.u32 $0xFFFF0000, v39;
	v51 =	vshll.u32 v41, $0x10  }
0xb3: {  	v53 =	vld [tilespmem:s0+$0x11F0];
	v7 =	vand.u32 $0xFFFF0000, v45;
	v4 =	vadd.f32 $0.0e+00, v52;
	v0 =	vadd.f32 $0.0e+00, v0  }
0xb4: {  	v55 =	vld [tilespmem:s0+$0x1200];
	v6 =	vadd.f32 $0.0e+00, v54;
	v1 =	vadd.f32 $0.0e+00, v1;
	v52 =	vand.u32 $0xFFFF0000, v41  }
0xb5: {  	v57 =	vld [tilespmem:s0+$0x1210];
	v54 =	vshll.u32 v45, $0x10;
	v4 =	vadd.f32 v56, v4;
	v0 =	vadd.f32 v2, v0  }
0xb6: {  	v63 =	vld [tilespmem:s0+$0x1230];
	v2 =	vadd.f32 v58, v6;
	v1 =	vadd.f32 v3, v1;
	v6 =	vand.u32 $0xFFFF0000, v28  }
0xb7: {  	v56 =	vshll.u32 v47, $0x10;
	v61 =	vadd.f32 v60, v4;
	v0 =	vadd.f32 v62, v0  }
0xb8: {  	v45 =	vld [tilespmem:s0+$0x1300];
	v58 =	vand.u32 $0xFFFF0000, v47;
	v2 =	vadd.f32 v12, v2;
	v1 =	vadd.f32 v13, v1  }
0xb9: {  	v33 =	vld [tilespmem:s0+$0x12B0];
	v59 =	vshll.u32 v49, $0x10;
	v60 =	vand.u32 $0xFFFF0000, v49;
	v62 =	vshll.u32 v53, $0x10  }
0xba: {  	v12 =	vshll.u32 v55, $0x10;
	v13 =	vld [tilespmem:s0+$0x1240];
	v14 =	vand.u32 $0xFFFF0000, v55;
	v16 =	vand.u32 $0xFFFF0000, v57  }
0xbb: {  	v20 =	vshll.u32 v63, $0x10;
	v3 =	vadd.f32 v15, v61;
	v0 =	vadd.f32 v17, v0;
	v61 =	vld [tilespmem:s0+$0x1220]  }
0xbc: {  	v22 =	vand.u32 $0xFFFF0000, v63;
	v2 =	vadd.f32 v18, v2;
	v1 =	vadd.f32 v19, v1;
	v17 =	vld [tilespmem:s0+$0x1250]  }
0xbd: {  	v55 =	vshll.u32 v45, $0x10;
	v19 =	vld [tilespmem:s0+$0x1260];
	v3 =	vadd.f32 v21, v3;
	v0 =	vadd.f32 v5, v0  }
0xbe: {  	v15 =	vshll.u32 v57, $0x10;
	v57 =	vld [tilespmem:s0+$0x1340];
	v2 =	vadd.f32 v23, v2;
	v1 =	vadd.f32 v25, v1  }
0xbf: {  	v5 =	vand.u32 $0xFFFF0000, v37;
	v21 =	vld [tilespmem:s0+$0x1270];
	v23 =	vshll.u32 v13, $0x10;
	v3 =	vadd.f32 v26, v3  }
0xc0: {  	v25 =	vld [tilespmem:s0+$0x1280];
	v24 =	vand.u32 $0xFFFF0000, v13;
	v0 =	vadd.f32 v27, v0;
	v2 =	vadd.f32 v29, v2  }
0xc1: {  	v37 =	vld [tilespmem:s0+$0x12D0];
	v1 =	vadd.f32 v30, v1;
	v18 =	vshll.u32 v61, $0x10;
	v26 =	vshll.u32 v17, $0x10  }
0xc2: {  	v27 =	vld [tilespmem:s0+$0x1290];
	v28 =	vshll.u32 v19, $0x10;
	v30 =	vand.u32 $0xFFFF0000, v19;
	v3 =	vadd.f32 v32, v3  }
0xc3: {  	v29 =	vld [tilespmem:s0+$0x12A0];
	v13 =	vshll.u32 v57, $0x10;
	v0 =	vadd.f32 v34, v0;
	v2 =	vadd.f32 v35, v2  }
0xc4: {  	v1 =	vadd.f32 v36, v1;
	v31 =	vshll.u32 v21, $0x10;
	v32 =	vand.u32 $0xFFFF0000, v21  }
0xc5: {  	v35 =	vld [tilespmem:s0+$0x12C0];
	v34 =	vshll.u32 v25, $0x10;
	v3 =	vadd.f32 v38, v3;
	v0 =	vadd.f32 v6, v0  }
0xc6: {  	v47 =	vshll.u32 v37, $0x10;
	v2 =	vadd.f32 v40, v2;
	v1 =	vadd.f32 v42, v1  }
0xc7: {  	v41 =	vld [tilespmem:s0+$0x12E0];
	v6 =	vand.u32 $0xFFFF0000, v53;
	v42 =	vshll.u32 v33, $0x10;
	v36 =	vshll.u32 v27, $0x10  }
0xc8: {  	v53 =	vld [tilespmem:s0+$0x1330];
	v38 =	vand.u32 $0xFFFF0000, v27;
	v39 =	vshll.u32 v29, $0x10;
	v3 =	vadd.f32 v43, v3  }
0xc9: {  	v40 =	vand.u32 $0xFFFF0000, v29;
	v0 =	vadd.f32 v44, v0;
	v2 =	vadd.f32 v46, v2  }
0xca: {  	v49 =	vld [tilespmem:s0+$0x1310];
	v1 =	vadd.f32 v5, v1;
	v5 =	vand.u32 $0xFFFF0000, v61;
	v44 =	vshll.u32 v35, $0x10  }
0xcb: {  	v43 =	vld [tilespmem:s0+$0x12F0];
	v46 =	vand.u32 $0xFFFF0000, v35;
	v3 =	vadd.f32 v48, v3;
	v0 =	vadd.f32 v50, v0  }
0xcc: {  	v2 =	vadd.f32 v51, v2;
	v1 =	vadd.f32 v52, v1;
	v48 =	vand.u32 $0xFFFF0000, v37  }
0xcd: {  	v61 =	vld [tilespmem:s0+$0x1360];
	v50 =	vshll.u32 v41, $0x10;
	v63 =	vshll.u32 v53, $0x10;
	v3 =	vadd.f32 v54, v3  }
0xce: {  	v51 =	vld [tilespmem:s0+$0x1320];
	v11 =	vand.u32 $0xFFFF0000, v53;
	v0 =	vadd.f32 v7, v0;
	v2 =	vadd.f32 v56, v2  }
0xcf: {  	v1 =	vadd.f32 v58, v1;
	v7 =	vand.u32 $0xFFFF0000, v17;
	v56 =	vand.u32 $0xFFFF0000, v45  }
0xd0: {  	v58 =	vshll.u32 v49, $0x10;
	v52 =	vshll.u32 v43, $0x10;
	v3 =	vadd.f32 v59, v3  }
0xd1: {  	v54 =	vand.u32 $0xFFFF0000, v43;
	v0 =	vadd.f32 v60, v0;
	v2 =	vadd.f32 v62, v2  }
0xd2: {  	v19 =	vand.u32 $0xFFFF0000, v61;
	v1 =	vadd.f32 v6, v1;
	v59 =	vld [tilespmem:s0+$0x1350];
	v3 =	vadd.f32 v12, v3  }
0xd3: {  	v60 =	vshll.u32 v51, $0x10;
	v0 =	vadd.f32 v14, v0;
	v2 =	vadd.f32 v15, v2  }
0xd4: {  	v62 =	vand.u32 $0xFFFF0000, v51;
	v51 =	vld [tilespmem:s0+$0x1460];
	v1 =	vadd.f32 v16, v1;
	v3 =	vadd.f32 v18, v3  }
0xd5: {  	v6 =	vand.u32 $0xFFFF0000, v25;
	v12 =	vld [tilespmem:s0+$0x1370];
	v0 =	vadd.f32 v5, v0;
	v2 =	vadd.f32 v20, v2  }
0xd6: {  	v14 =	vld [tilespmem:s0+$0x1380];
	v1 =	vadd.f32 v22, v1;
	v5 =	vand.u32 $0xFFFF0000, v33;
	v18 =	vshll.u32 v61, $0x10  }
0xd7: {  	v15 =	vshll.u32 v59, $0x10;
	v3 =	vadd.f32 v23, v3;
	v0 =	vadd.f32 v24, v0  }
0xd8: {  	v16 =	vld [tilespmem:s0+$0x1390];
	v17 =	vand.u32 $0xFFFF0000, v59;
	v2 =	vadd.f32 v26, v2;
	v1 =	vadd.f32 v7, v1  }
0xd9: {  	v7 =	vand.u32 $0xFFFF0000, v41;
	v59 =	vshll.u32 v51, $0x10;
	v3 =	vadd.f32 v28, v3  }
0xda: {  	v20 =	vld [tilespmem:s0+$0x13A0];
	v61 =	vand.u32 $0xFFFF0000, v51;
	v21 =	vshll.u32 v12, $0x10;
	v0 =	vadd.f32 v30, v0  }
0xdb: {  	v22 =	vld [tilespmem:s0+$0x13B0];
	v23 =	vshll.u32 v14, $0x10;
	v2 =	vadd.f32 v31, v2;
	v3 =	vadd.f32 v34, v3  }
0xdc: {  	v25 =	vand.u32 $0xFFFF0000, v14;
	v1 =	vadd.f32 v32, v1;
	v0 =	vadd.f32 v6, v0  }
0xdd: {  	v26 =	vshll.u32 v16, $0x10;
	v2 =	vadd.f32 v36, v2;
	v3 =	vadd.f32 v39, v3  }
0xde: {  	v24 =	vld [tilespmem:s0+$0x13C0];
	v27 =	vand.u32 $0xFFFF0000, v16;
	v1 =	vadd.f32 v38, v1;
	v0 =	vadd.f32 v40, v0  }
0xdf: {  	v29 =	vshll.u32 v20, $0x10;
	v2 =	vadd.f32 v42, v2;
	v3 =	vadd.f32 v44, v3  }
0xe0: {  	v31 =	vshll.u32 v22, $0x10;
	v1 =	vadd.f32 v5, v1;
	v0 =	vadd.f32 v46, v0  }
0xe1: {  	v28 =	vld [tilespmem:s0+$0x13D0];
	v33 =	vand.u32 $0xFFFF0000, v22;
	v2 =	vadd.f32 v47, v2;
	v3 =	vadd.f32 v50, v3  }
0xe2: {  	v30 =	vld [tilespmem:s0+$0x13E0];
	v6 =	vand.u32 $0xFFFF0000, v49;
	v1 =	vadd.f32 v48, v1;
	v0 =	vadd.f32 v7, v0  }
0xe3: {  	v34 =	vshll.u32 v24, $0x10;
	v2 =	vadd.f32 v52, v2;
	v3 =	vadd.f32 v55, v3  }
0xe4: {  	v32 =	vld [tilespmem:s0+$0x13F0];
	v35 =	vand.u32 $0xFFFF0000, v24;
	v1 =	vadd.f32 v54, v1;
	v0 =	vadd.f32 v56, v0  }
0xe5: {  	v5 =	vand.u32 $0xFFFF0000, v57;
	v2 =	vadd.f32 v58, v2;
	v3 =	vadd.f32 v60, v3  }
0xe6: {  	v37 =	vshll.u32 v28, $0x10;
	v1 =	vadd.f32 v6, v1;
	v0 =	vadd.f32 v62, v0  }
0xe7: {  	v36 =	vld [tilespmem:s0+$0x1400];
	v39 =	vshll.u32 v30, $0x10;
	v2 =	vadd.f32 v63, v2;
	v3 =	vadd.f32 v13, v3  }
0xe8: {  	v41 =	vand.u32 $0xFFFF0000, v30;
	v1 =	vadd.f32 v11, v1;
	v0 =	vadd.f32 v5, v0  }
0xe9: {  	v38 =	vld [tilespmem:s0+$0x1410];
	v42 =	vshll.u32 v32, $0x10;
	v2 =	vadd.f32 v15, v2;
	v3 =	vadd.f32 v18, v3  }
0xea: {  	v43 =	vand.u32 $0xFFFF0000, v32;
	v1 =	vadd.f32 v17, v1;
	v0 =	vadd.f32 v19, v0  }
0xeb: {  	v40 =	vld [tilespmem:s0+$0x1420];
	v7 =	vand.u32 $0xFFFF0000, v12;
	v2 =	vadd.f32 v21, v2;
	v3 =	vadd.f32 v23, v3  }
0xec: {  	v45 =	vshll.u32 v36, $0x10;
	v1 =	vadd.f32 v7, v1;
	v0 =	vadd.f32 v25, v0  }
0xed: {  	v6 =	vand.u32 $0xFFFF0000, v20;
	v2 =	vadd.f32 v26, v2;
	v3 =	vadd.f32 v29, v3  }
0xee: {  	v47 =	vshll.u32 v38, $0x10;
	v1 =	vadd.f32 v27, v1;
	v0 =	vadd.f32 v6, v0  }
0xef: {  	v44 =	vld [tilespmem:s0+$0x1430];
	v49 =	vand.u32 $0xFFFF0000, v38;
	v2 =	vadd.f32 v31, v2;
	v3 =	vadd.f32 v34, v3  }
0xf0: {  	v50 =	vshll.u32 v40, $0x10;
	v1 =	vadd.f32 v33, v1;
	v0 =	vadd.f32 v35, v0  }
0xf1: {  	v46 =	vld [tilespmem:s0+$0x1440];
	v5 =	vand.u32 $0xFFFF0000, v28;
	v2 =	vadd.f32 v37, v2;
	v3 =	vadd.f32 v39, v3  }
0xf2: {  	v52 =	vand.u32 $0xFFFF0000, v40;
	v1 =	vadd.f32 v5, v1;
	v0 =	vadd.f32 v41, v0  }
0xf3: {  	v48 =	vld [tilespmem:s0+$0x1450];
	v7 =	vand.u32 $0xFFFF0000, v36;
	v2 =	vadd.f32 v42, v2;
	v3 =	vadd.f32 v45, v3  }
0xf4: {  	p1 =	sgt.u32 s31, $0x78;
	v53 =	vshll.u32 v44, $0x10;
	v1 =	vadd.f32 v43, v1;
	v0 =	vadd.f32 v7, v0  }
0xf5: {  	v55 =	vld [tilespmem:s0+$0x1470];
	s0 =	smul.u32 @!p1 $0xAB, s28;
	v54 =	vand.u32 $0xFFFF0000, v44;
	v2 =	vadd.f32 v47, v2;
	v3 =	vadd.f32 v50, v3  }
0xf6: {  	v56 =	vshll.u32 v46, $0x10;
	v1 =	vadd.f32 v49, v1;
	v0 =	vadd.f32 v52, v0  }
0xf7: {  	v57 =	vand.u32 $0xFFFF0000, v46;
	s0 =	sshrl.u32 @!p1 s0, $0xA;
	v2 =	vadd.f32 v53, v2;
	v3 =	vadd.f32 v56, v3  }
0xf8: {  	v58 =	vshll.u32 v48, $0x10;
	s0 =	sand.u32 @!p1 $0x3F, s0;
	v1 =	vadd.f32 v54, v1;
	v0 =	vadd.f32 v57, v0  }
0xf9: {  	v60 =	vand.u32 $0xFFFF0000, v48;
	s0 =	smul.u32 @!p1 $0x6, s0;
	v2 =	vadd.f32 v58, v2;
	v3 =	vadd.f32 v59, v3  }
0xfa: {  	v62 =	vshll.u32 v55, $0x10;
	v1 =	vadd.f32 v60, v1;
	v0 =	vadd.f32 v61, v0  }
0xfb: {  	v63 =	vand.u32 $0xFFFF0000, v55;
	s0 =	ssub.s32 @!p1 s28, s0;
	v2 =	vadd.f32 v62, v2;
	[tilespmem:s30+$0x0] =	vst v3  }
0xfc: {  	s0 =	sand.u32 @!p1 $0xFF, s0;
	v1 =	vadd.f32 v63, v1;
	[tilespmem:s30+$0x10] =	vst v0  }
0xfd: {  	s0 =	sshll.u32 @!p1 s0, $0xA;
	[tilespmem:s30+$0x20] =	vst v2  }
0xfe: {  	s13 =	simm.s32 @!p1 $0x20;
	s0 =	sadd.s32 @!p1 $0x1080, s0;
	[tilespmem:s30+$0x30] =	vst v1  }
0xff: {  	[tilespmem:s0], [sflag:$0x2] =	stream.indirect.gather @!p1 [spmem:s1], $0x20, s29, s13, $0xb8;
	[tilespmem:$0x5720] =	vst v63  }
0x100: {  	p1 =	slt.u32 s31, $0x7E  }
.Ltmp0:
0x101: {  	_ = 	snop;
	(pc) =	sbr.rel @p1 .LBB2_2-.Ltmp0, $2  }
0x102: {  	_ =	sdelay $0x2  }
0x103: {  	s28 =	sadd.s32 $0x2, s28;
	s30 =	sadd.s32 $0x80, s30;
	s29 =	sadd.s32 $0x40, s29  }
0x104: {  	s26 =	sadd.s32 $0x1, s26  }
0x105: {  	p1 =	sne.s32 s26, s7  }
.Ltmp1:
0x106: {  	_ = 	snop;
	(pc) =	sbr.rel @p1 .LBB2_1-.Ltmp1, $4  }
0x107: {  	[hbm4b:s6+s2] =	stream.linear.scatter [tilespmem:s25], [sflag:$0x3], $0x2000, $0x38;
	[tilespmem:$0x5720] =	vst v63  }
0x108: {  	_ =	swait.ge [sflag:s8], $0x2000  }
0x109: {  	[sflag:s8] =	ssyncset.done $0x0  }
0x10a: {  	[sflag:s8] =	ssyncadd.s32 $0xFFFFE000  }
0x10b: {  	_ =	sfence.sel $0x180000  }
0x10c: {  	[bflag:$0x0] =	sbarrier.arrive $0xFFFF  }
0x10d: {  	_ =	strace $0x90000047  }
0x10e: {  	[bflag:$0x2] =	sbarrier.arrive $0xFFFF  }
0x10f: {  	s0 =	rddreg [dreg:$0x4]  }
0x110: {  	s0 =	sadd.s32 @!p0 $0x100000, s0  }
0x111: {  	[sflag:s0] =	ssyncadd.tile.s32 @!p0 $0x1;
	_ =	shalt  }
.Lfunc_end2:
_tile_overlayer_lowered:
.L_overlay_start_2:
0x112: {  	(tag) =	ssettag $0x2  }
0x113: {  	s0 =	rddreg [dreg:$0x0];
	s2 =	stileid.u32  }
0x114: {  	s1 =	rddreg [dreg:$0x1];
	p0 =	sne.s32 s2, $0x0  }
0x115: {  	s3 =	rddreg [dreg:$0x2];
	[bflag:$0x3] =	sbarrier.arrive $0xFFFF;
	s2 =	simm.s32 @!p0 $0x1C03  }
0x116: {  	[timem:s3], [sflag:s2] =	dma.local @!p0 [hbm:s0], s1  }
0x117: {  	s0 =	simm.s32 @!p0 $0x3  }
0x118: {  	_ =	swait.ge @!p0 [sflag:s0], s1  }
0x119: {  	s1 =	ssub.s32 @!p0 $0x0, s1;
	[sflag:s0] =	ssyncset.done @!p0 $0x0  }
0x11a: {  	[sflag:s0] =	ssyncadd.s32 @!p0 s1  }
0x11b: {  	[bflag:$0x3] =	sbarrier.arrive $0xFFFF  }
0x11c: {  	_ =	shalt  }

</sc_bundles>
